<compile_context>
chip_gen: v7x
topology: tpu7x:2x2x1
jax: 0.10.2.dev20260603
libtpu: 0.0.44.dev20260713+nightly
codegen_flags: <defaults>
</compile_context>

<pallas_src>
import functools

import jax
import jax.numpy as jnp
from jax import lax
from jax.experimental import pallas as pl
from jax.experimental.pallas import tpu as pltpu
from jax.experimental.pallas import tpu_sc as plsc

NC = 2
NS = 16
L = 16
CH = 128


def _zero_rows(ref, nrows, width):
  zero = jnp.zeros((L,), jnp.float32)

  def body(i, carry):
    for j in range(width // L):
      ref[i, pl.ds(j * L, L)] = zero
    return carry

  lax.fori_loop(0, nrows, body, 0, unroll=4)


def _sc_mesh():
  return plsc.VectorSubcoreMesh(core_axis_name="c", subcore_axis_name="s")


def _make_deg_kernel(npad, cpt):

  @functools.partial(
      pl.kernel,
      out_type=jax.ShapeDtypeStruct((NC * NS, npad), jnp.float32),
      mesh=_sc_mesh(),
      compiler_params=pltpu.CompilerParams(needs_layout_passes=False),
      scratch_types=[
          pltpu.VMEM((cpt, CH), jnp.int32),
          pltpu.VMEM((npad,), jnp.float32),
      ],
  )
  def deg_kernel(col3, degp, colbuf, hist):
    c = lax.axis_index("c")
    s = lax.axis_index("s")
    wid = c * NS + s

    pltpu.sync_copy(col3.at[wid], colbuf)

    zero = jnp.zeros((L,), jnp.float32)

    def zbody(i, carry):
      hist[pl.ds(i * L, L)] = zero
      return carry

    lax.fori_loop(0, npad // L, zbody, 0, unroll=8)

    one = jnp.full((L,), 1.0, jnp.float32)

    def chunk(j, carry):
      for k in range(CH // L):
        idx = colbuf[j, pl.ds(k * L, L)]
        plsc.addupdate_scatter(hist, [idx], one)
      return carry

    lax.fori_loop(0, cpt, chunk, 0)
    pltpu.sync_copy(hist, degp.at[wid])

  return deg_kernel


def _make_agg_kernel(npad, d, cpt):
  rows_per_tile = npad // NS

  @functools.partial(
      pl.kernel,
      out_type=jax.ShapeDtypeStruct((NC * npad, d), jnp.float32),
      mesh=_sc_mesh(),
      scratch_types=[
          pltpu.VMEM((cpt, CH), jnp.int32),
          pltpu.VMEM((cpt, CH), jnp.int32),
          pltpu.VMEM((CH, d), jnp.float32),
          pltpu.VMEM_SHARED((npad, d), jnp.float32),
          pltpu.SemaphoreType.DMA,
      ],
  )
  def agg_kernel(xs_hbm, row3, col3, out, rowbuf, colbuf, rows_v, acc, sem):
    c = lax.axis_index("c")
    s = lax.axis_index("s")
    wid = c * NS + s

    pltpu.sync_copy(row3.at[wid], rowbuf)
    pltpu.sync_copy(col3.at[wid], colbuf)

    _zero_rows(rows_v, CH, d)
    zbase = s * rows_per_tile
    for r in range(rows_per_tile // CH):
      pltpu.sync_copy(rows_v, acc.at[pl.ds(zbase + r * CH, CH)])
    plsc.subcore_barrier()

    def chunk(j, carry):
      pltpu.async_copy(xs_hbm.at[rowbuf.at[j]], rows_v, sem).wait()
      pltpu.sync_copy(rows_v, acc.at[colbuf.at[j]], add=True)
      return carry

    lax.fori_loop(0, cpt, chunk, 0)
    plsc.subcore_barrier()

    pltpu.sync_copy(
        acc.at[pl.ds(s * rows_per_tile, rows_per_tile)],
        out.at[pl.ds(c * npad + s * rows_per_tile, rows_per_tile)])

  return agg_kernel


def _scale_kernel(dp_ref, x_ref, xs_ref, ds_ref):
  deg = jnp.sum(dp_ref[...], axis=0)[:, None]
  dis = jnp.where(deg > 0.0, lax.rsqrt(jnp.maximum(deg, 1e-30)), 0.0)
  xs_ref[...] = dis * x_ref[...]
  ds_ref[...] = jnp.broadcast_to(dis, ds_ref.shape)


def _head_kernel(p0_ref, p1_ref, ds_ref, w_ref, b_ref, o_ref):
  agg = ds_ref[:, :1] * (p0_ref[...] + p1_ref[...])
  out = jnp.dot(agg, w_ref[...], preferred_element_type=jnp.float32)
  o_ref[...] = jnp.maximum(out + b_ref[...], 0.0)


def kernel(x, edge_index, W, b):
  n, d = x.shape
  e = edge_index.shape[1]

  npad = -(-(n + 1) // (NS * CH)) * (NS * CH)
  cpt = -(-e // (NC * NS * CH))
  epad = NC * NS * cpt * CH

  row = edge_index[0].astype(jnp.int32)
  col = edge_index[1].astype(jnp.int32)
  pad = jnp.full((epad - e,), n, jnp.int32)
  row3 = jnp.concatenate([row, pad]).reshape(NC * NS, cpt, CH)
  col3 = jnp.concatenate([col, pad]).reshape(NC * NS, cpt, CH)
  x_pad = jnp.zeros((npad, d), x.dtype).at[:n].set(x)

  degp = _make_deg_kernel(npad, cpt)(col3)

  bn = npad
  grid = (npad // bn,)
  xs, ds16 = pl.pallas_call(
      _scale_kernel,
      grid=grid,
      in_specs=[
          pl.BlockSpec((NC * NS, bn), lambda i: (0, i)),
          pl.BlockSpec((bn, d), lambda i: (i, 0)),
      ],
      out_specs=[
          pl.BlockSpec((bn, d), lambda i: (i, 0)),
          pl.BlockSpec((bn, L), lambda i: (i, 0)),
      ],
      out_shape=[
          jax.ShapeDtypeStruct((npad, d), jnp.float32),
          jax.ShapeDtypeStruct((npad, L), jnp.float32),
      ],
  )(degp, x_pad)

  parts = _make_agg_kernel(npad, d, cpt)(xs, row3, col3)

  h_pad = pl.pallas_call(
      _head_kernel,
      grid=grid,
      in_specs=[
          pl.BlockSpec((bn, d), lambda i: (i, 0)),
          pl.BlockSpec((bn, d), lambda i: (i, 0)),
          pl.BlockSpec((bn, L), lambda i: (i, 0)),
          pl.BlockSpec((d, d), lambda i: (0, 0)),
          pl.BlockSpec((1, d), lambda i: (0, 0)),
      ],
      out_specs=pl.BlockSpec((bn, d), lambda i: (i, 0)),
      out_shape=jax.ShapeDtypeStruct((npad, d), jnp.float32),
  )(parts[:npad], parts[npad:], ds16, W, b.reshape(1, d))

  return h_pad[:n]

# --- scband reference (transcript-rebuilt; emitter-appended) ---
"""Pipeline reference for scband-gcnlayer-decomposed-41807211659499 (READ-ONLY COPY).

The authoritative reference and input builder live on the scoring server;
editing this copy changes nothing except your own understanding.
"""

import jax, jax.numpy as jnp
import numpy as np

N_NODES = 10000
N_EDGES = 320000
D_IN = 128
D_OUT = 128


def setup_inputs(seed: int = 0) -> dict:
    key = jax.random.key(seed)
    k1, k2, k3, k4 = jax.random.split(key, 4)
    x = jax.random.normal(k1, (N_NODES, D_IN), dtype=jnp.float32)
    edge_index = jax.random.randint(k2, (2, N_EDGES), 0, N_NODES, dtype=jnp.int64)
    # Linear params (torch nn.Linear default init: kaiming-uniform-ish; use uniform)
    bound = 1.0 / np.sqrt(D_IN)
    W = jax.random.uniform(k3, (D_IN, D_OUT), dtype=jnp.float32, minval=-bound, maxval=bound)
    b = jax.random.uniform(k4, (D_OUT,), dtype=jnp.float32, minval=-bound, maxval=bound)
    return {"x": x, "edge_index": edge_index, "W": W, "b": b}


def reference(x, edge_index, W, b):
    num_nodes = x.shape[0]
    row = edge_index[0]
    col = edge_index[1]
    # Stage 1: compute symmetric normalization (degree via scatter-add on col)
    ones = jnp.ones(edge_index.shape[1], dtype=jnp.float32)
    deg = jnp.zeros(num_nodes, dtype=jnp.float32).at[col].add(ones)
    deg_inv_sqrt = jnp.where(deg > 0, deg ** -0.5, 0.0)
    norm = deg_inv_sqrt[row] * deg_inv_sqrt[col]
    # Stage 2: gather source features
    x_j = x[row]
    # Stage 3: message = norm * x_j
    msg = norm[:, None] * x_j
    # Stage 4: reduce-sum (scatter-add to dst nodes)
    agg = jnp.zeros((num_nodes, msg.shape[1]), dtype=msg.dtype).at[col].add(msg)
    # Stage 5: linear transform
    out = agg @ W + b
    # Stage 6: ReLU
    h = jax.nn.relu(out)
    return h

if __name__ == "__main__":
    import jax
    _d = setup_inputs()
    print(jax.jit(kernel)(*tuple(_d.values())))

</pallas_src>

<mosaic_0001>
#map = affine_map<(d0, d1) -> (0, 0, 0)>
#map1 = affine_map<(d0, d1) -> (0, 0)>
module attributes {stable_mosaic.version = 14 : i64} {
  func.func @deg_kernel(%arg0: i32, %arg1: i32, %arg2: memref<32x79x128xi32, #tpu.memory_space<hbm>>, %arg3: memref<32x10240xf32, #tpu.memory_space<hbm>>, %arg4: memref<79x128xi32, #tpu.memory_space<vmem>>, %arg5: memref<10240xf32, #tpu.memory_space<vmem>>) attributes {dimension_semantics = [#tpu.dimension_semantics<core_parallel>, #tpu.dimension_semantics<subcore_parallel>], iteration_bounds = array<i64: 2, 16>, scalar_prefetch = 0 : i64, scratch_operands = 2 : i64, tpu.core_type = #tpu.core_type<sc_vector_subcore>, window_params = [{transform_indices = #map}, {transform_indices = #map1}]} {
    %mul3A = arith.constant 16 : i32
    %mul3A_0 = arith.muli %arg0, %mul3A : i32
    %add3A = arith.addi %mul3A_0, %arg1 : i32
    "tpu.region"() ({
      %run_scoped3A = tpu.sem_alloc : memref<!tpu.dma_semaphore, #tpu.memory_space<semaphore_mem>>
      %dma_start3A = arith.constant 0 : i32
      %dma_start3A_15 = arith.constant 0 : i32
      %dma_start3A_16 = tpu.memref_slice %arg2[%add3A, %dma_start3A, %dma_start3A_15] : memref<32x79x128xi32, #tpu.memory_space<hbm>> -> memref<1x79x128xi32, #tpu.memory_space<hbm>>
      %dma_start3A_17 = tpu.memref_squeeze %dma_start3A_16 : memref<1x79x128xi32, #tpu.memory_space<hbm>> -> memref<79x128xi32, #tpu.memory_space<hbm>>
      %dma_start3A_18 = arith.constant 0 : i32
      %dma_start3A_19 = arith.constant 0 : i32
      %dma_start3A_20 = tpu.memref_slice %arg2[%add3A, %dma_start3A_18, %dma_start3A_19] : memref<32x79x128xi32, #tpu.memory_space<hbm>> -> memref<1x79x128xi32, #tpu.memory_space<hbm>>
      %dma_start3A_21 = tpu.memref_squeeze %dma_start3A_20 : memref<1x79x128xi32, #tpu.memory_space<hbm>> -> memref<79x128xi32, #tpu.memory_space<hbm>>
      tpu.enqueue_dma source(%dma_start3A_21 : memref<79x128xi32, #tpu.memory_space<hbm>>) target(%arg4 : memref<79x128xi32, #tpu.memory_space<vmem>>) target_semaphore(%run_scoped3A : memref<!tpu.dma_semaphore, #tpu.memory_space<semaphore_mem>>)
      %dma_wait3A = arith.constant 0 : i32
      %dma_wait3A_22 = arith.constant 0 : i32
      %dma_wait3A_23 = tpu.memref_slice %arg2[%add3A, %dma_wait3A, %dma_wait3A_22] : memref<32x79x128xi32, #tpu.memory_space<hbm>> -> memref<1x79x128xi32, #tpu.memory_space<hbm>>
      %dma_wait3A_24 = tpu.memref_squeeze %dma_wait3A_23 : memref<1x79x128xi32, #tpu.memory_space<hbm>> -> memref<79x128xi32, #tpu.memory_space<hbm>>
      %dma_wait3A_25 = arith.constant 0 : i32
      %dma_wait3A_26 = arith.constant 0 : i32
      %dma_wait3A_27 = tpu.memref_slice %arg2[%add3A, %dma_wait3A_25, %dma_wait3A_26] : memref<32x79x128xi32, #tpu.memory_space<hbm>> -> memref<1x79x128xi32, #tpu.memory_space<hbm>>
      %dma_wait3A_28 = tpu.memref_squeeze %dma_wait3A_27 : memref<1x79x128xi32, #tpu.memory_space<hbm>> -> memref<79x128xi32, #tpu.memory_space<hbm>>
      tpu.wait_dma2 semaphore(%run_scoped3A : memref<!tpu.dma_semaphore, #tpu.memory_space<semaphore_mem>>) src(%dma_wait3A_28 : memref<79x128xi32, #tpu.memory_space<hbm>>) dst(%arg4 : memref<79x128xi32, #tpu.memory_space<vmem>>)
      tpu.yield
    }) : () -> ()
    %broadcast_in_dim3A = arith.constant 0.000000e+00 : f32
    %broadcast_in_dim3A_1 = vector.broadcast %broadcast_in_dim3A : f32 to vector<16xf32>
    %scan3A = arith.constant 0 : i32
    %scan3A_2 = arith.constant 0 : i32
    %scan3A_3 = arith.constant 640 : i32
    %scan3A_4 = arith.addi %scan3A_2, %scan3A_3 : i32
    %scan3A_5 = arith.constant 8 : i32
    scf.for %scan3A_15 = %scan3A_2 to %scan3A_4 step %scan3A_5  : i32 {
      %mul3A_16 = arith.constant 16 : i32
      %mul3A_17 = arith.muli %scan3A_15, %mul3A_16 : i32
      %swap3A = arith.index_cast %mul3A_17 : i32 to index
      %swap3A_18 = tpu.vector_load %arg5[%swap3A] {strides = array<i32>} : memref<10240xf32, #tpu.memory_space<vmem>>, vector<16xf32>,
      tpu.vector_store %arg5[%swap3A], %broadcast_in_dim3A_1 {strides = array<i32>} : memref<10240xf32, #tpu.memory_space<vmem>>, vector<16xf32>,
      %scan3A_19 = arith.constant 1 : i32
      %scan3A_20 = arith.addi %scan3A_15, %scan3A_19 : i32
      %mul3A_21 = arith.constant 16 : i32
      %mul3A_22 = arith.muli %scan3A_20, %mul3A_21 : i32
      %swap3A_23 = arith.index_cast %mul3A_22 : i32 to index
      %swap3A_24 = tpu.vector_load %arg5[%swap3A_23] {strides = array<i32>} : memref<10240xf32, #tpu.memory_space<vmem>>, vector<16xf32>,
      tpu.vector_store %arg5[%swap3A_23], %broadcast_in_dim3A_1 {strides = array<i32>} : memref<10240xf32, #tpu.memory_space<vmem>>, vector<16xf32>,
      %scan3A_25 = arith.constant 2 : i32
      %scan3A_26 = arith.addi %scan3A_15, %scan3A_25 : i32
      %mul3A_27 = arith.constant 16 : i32
      %mul3A_28 = arith.muli %scan3A_26, %mul3A_27 : i32
      %swap3A_29 = arith.index_cast %mul3A_28 : i32 to index
      %swap3A_30 = tpu.vector_load %arg5[%swap3A_29] {strides = array<i32>} : memref<10240xf32, #tpu.memory_space<vmem>>, vector<16xf32>,
      tpu.vector_store %arg5[%swap3A_29], %broadcast_in_dim3A_1 {strides = array<i32>} : memref<10240xf32, #tpu.memory_space<vmem>>, vector<16xf32>,
      %scan3A_31 = arith.constant 3 : i32
      %scan3A_32 = arith.addi %scan3A_15, %scan3A_31 : i32
      %mul3A_33 = arith.constant 16 : i32
      %mul3A_34 = arith.muli %scan3A_32, %mul3A_33 : i32
      %swap3A_35 = arith.index_cast %mul3A_34 : i32 to index
      %swap3A_36 = tpu.vector_load %arg5[%swap3A_35] {strides = array<i32>} : memref<10240xf32, #tpu.memory_space<vmem>>, vector<16xf32>,
      tpu.vector_store %arg5[%swap3A_35], %broadcast_in_dim3A_1 {strides = array<i32>} : memref<10240xf32, #tpu.memory_space<vmem>>, vector<16xf32>,
      %scan3A_37 = arith.constant 4 : i32
      %scan3A_38 = arith.addi %scan3A_15, %scan3A_37 : i32
      %mul3A_39 = arith.constant 16 : i32
      %mul3A_40 = arith.muli %scan3A_38, %mul3A_39 : i32
      %swap3A_41 = arith.index_cast %mul3A_40 : i32 to index
      %swap3A_42 = tpu.vector_load %arg5[%swap3A_41] {strides = array<i32>} : memref<10240xf32, #tpu.memory_space<vmem>>, vector<16xf32>,
      tpu.vector_store %arg5[%swap3A_41], %broadcast_in_dim3A_1 {strides = array<i32>} : memref<10240xf32, #tpu.memory_space<vmem>>, vector<16xf32>,
      %scan3A_43 = arith.constant 5 : i32
      %scan3A_44 = arith.addi %scan3A_15, %scan3A_43 : i32
      %mul3A_45 = arith.constant 16 : i32
      %mul3A_46 = arith.muli %scan3A_44, %mul3A_45 : i32
      %swap3A_47 = arith.index_cast %mul3A_46 : i32 to index
      %swap3A_48 = tpu.vector_load %arg5[%swap3A_47] {strides = array<i32>} : memref<10240xf32, #tpu.memory_space<vmem>>, vector<16xf32>,
      tpu.vector_store %arg5[%swap3A_47], %broadcast_in_dim3A_1 {strides = array<i32>} : memref<10240xf32, #tpu.memory_space<vmem>>, vector<16xf32>,
      %scan3A_49 = arith.constant 6 : i32
      %scan3A_50 = arith.addi %scan3A_15, %scan3A_49 : i32
      %mul3A_51 = arith.constant 16 : i32
      %mul3A_52 = arith.muli %scan3A_50, %mul3A_51 : i32
      %swap3A_53 = arith.index_cast %mul3A_52 : i32 to index
      %swap3A_54 = tpu.vector_load %arg5[%swap3A_53] {strides = array<i32>} : memref<10240xf32, #tpu.memory_space<vmem>>, vector<16xf32>,
      tpu.vector_store %arg5[%swap3A_53], %broadcast_in_dim3A_1 {strides = array<i32>} : memref<10240xf32, #tpu.memory_space<vmem>>, vector<16xf32>,
      %scan3A_55 = arith.constant 7 : i32
      %scan3A_56 = arith.addi %scan3A_15, %scan3A_55 : i32
      %mul3A_57 = arith.constant 16 : i32
      %mul3A_58 = arith.muli %scan3A_56, %mul3A_57 : i32
      %swap3A_59 = arith.index_cast %mul3A_58 : i32 to index
      %swap3A_60 = tpu.vector_load %arg5[%swap3A_59] {strides = array<i32>} : memref<10240xf32, #tpu.memory_space<vmem>>, vector<16xf32>,
      tpu.vector_store %arg5[%swap3A_59], %broadcast_in_dim3A_1 {strides = array<i32>} : memref<10240xf32, #tpu.memory_space<vmem>>, vector<16xf32>,
    }
    %scan3A_6 = arith.constant 640 : i32
    %broadcast_in_dim3A_7 = arith.constant 1.000000e+00 : f32
    %broadcast_in_dim3A_8 = vector.broadcast %broadcast_in_dim3A_7 : f32 to vector<16xf32>
    %scan3A_9 = arith.constant 0 : i32
    %scan3A_10 = arith.constant 0 : i32
    %scan3A_11 = arith.constant 79 : i32
    %scan3A_12 = arith.addi %scan3A_10, %scan3A_11 : i32
    %scan3A_13 = arith.constant 1 : i32
    scf.for %scan3A_15 = %scan3A_10 to %scan3A_12 step %scan3A_13  : i32 {
      %get3A = arith.index_cast %scan3A_15 : i32 to index
      %get3A_16 = arith.constant 0 : index
      %get3A_17 = tpu.vector_load %arg4[%get3A, %get3A_16] {strides = array<i32>} : memref<79x128xi32, #tpu.memory_space<vmem>>, vector<16xi32>,
      tpu.vector_store_idx %arg5[%get3A_17], %broadcast_in_dim3A_8 {add = true} : memref<10240xf32, #tpu.memory_space<vmem>>[vector<16xi32>], vector<16xf32>,
      %get3A_18 = arith.index_cast %scan3A_15 : i32 to index
      %get3A_19 = arith.constant 16 : index
      %get3A_20 = tpu.vector_load %arg4[%get3A_18, %get3A_19] {strides = array<i32>} : memref<79x128xi32, #tpu.memory_space<vmem>>, vector<16xi32>,
      tpu.vector_store_idx %arg5[%get3A_20], %broadcast_in_dim3A_8 {add = true} : memref<10240xf32, #tpu.memory_space<vmem>>[vector<16xi32>], vector<16xf32>,
      %get3A_21 = arith.index_cast %scan3A_15 : i32 to index
      %get3A_22 = arith.constant 32 : index
      %get3A_23 = tpu.vector_load %arg4[%get3A_21, %get3A_22] {strides = array<i32>} : memref<79x128xi32, #tpu.memory_space<vmem>>, vector<16xi32>,
      tpu.vector_store_idx %arg5[%get3A_23], %broadcast_in_dim3A_8 {add = true} : memref<10240xf32, #tpu.memory_space<vmem>>[vector<16xi32>], vector<16xf32>,
      %get3A_24 = arith.index_cast %scan3A_15 : i32 to index
      %get3A_25 = arith.constant 48 : index
      %get3A_26 = tpu.vector_load %arg4[%get3A_24, %get3A_25] {strides = array<i32>} : memref<79x128xi32, #tpu.memory_space<vmem>>, vector<16xi32>,
      tpu.vector_store_idx %arg5[%get3A_26], %broadcast_in_dim3A_8 {add = true} : memref<10240xf32, #tpu.memory_space<vmem>>[vector<16xi32>], vector<16xf32>,
      %get3A_27 = arith.index_cast %scan3A_15 : i32 to index
      %get3A_28 = arith.constant 64 : index
      %get3A_29 = tpu.vector_load %arg4[%get3A_27, %get3A_28] {strides = array<i32>} : memref<79x128xi32, #tpu.memory_space<vmem>>, vector<16xi32>,
      tpu.vector_store_idx %arg5[%get3A_29], %broadcast_in_dim3A_8 {add = true} : memref<10240xf32, #tpu.memory_space<vmem>>[vector<16xi32>], vector<16xf32>,
      %get3A_30 = arith.index_cast %scan3A_15 : i32 to index
      %get3A_31 = arith.constant 80 : index
      %get3A_32 = tpu.vector_load %arg4[%get3A_30, %get3A_31] {strides = array<i32>} : memref<79x128xi32, #tpu.memory_space<vmem>>, vector<16xi32>,
      tpu.vector_store_idx %arg5[%get3A_32], %broadcast_in_dim3A_8 {add = true} : memref<10240xf32, #tpu.memory_space<vmem>>[vector<16xi32>], vector<16xf32>,
      %get3A_33 = arith.index_cast %scan3A_15 : i32 to index
      %get3A_34 = arith.constant 96 : index
      %get3A_35 = tpu.vector_load %arg4[%get3A_33, %get3A_34] {strides = array<i32>} : memref<79x128xi32, #tpu.memory_space<vmem>>, vector<16xi32>,
      tpu.vector_store_idx %arg5[%get3A_35], %broadcast_in_dim3A_8 {add = true} : memref<10240xf32, #tpu.memory_space<vmem>>[vector<16xi32>], vector<16xf32>,
      %get3A_36 = arith.index_cast %scan3A_15 : i32 to index
      %get3A_37 = arith.constant 112 : index
      %get3A_38 = tpu.vector_load %arg4[%get3A_36, %get3A_37] {strides = array<i32>} : memref<79x128xi32, #tpu.memory_space<vmem>>, vector<16xi32>,
      tpu.vector_store_idx %arg5[%get3A_38], %broadcast_in_dim3A_8 {add = true} : memref<10240xf32, #tpu.memory_space<vmem>>[vector<16xi32>], vector<16xf32>,
    }
    %scan3A_14 = arith.constant 79 : i32
    "tpu.region"() ({
      %run_scoped3A = tpu.sem_alloc : memref<!tpu.dma_semaphore, #tpu.memory_space<semaphore_mem>>
      %dma_start3A = arith.constant 0 : i32
      %dma_start3A_15 = tpu.memref_slice %arg3[%add3A, %dma_start3A] : memref<32x10240xf32, #tpu.memory_space<hbm>> -> memref<1x10240xf32, #tpu.memory_space<hbm>>
      %dma_start3A_16 = tpu.memref_squeeze %dma_start3A_15 : memref<1x10240xf32, #tpu.memory_space<hbm>> -> memref<10240xf32, #tpu.memory_space<hbm>>
      %dma_start3A_17 = arith.constant 0 : i32
      %dma_start3A_18 = tpu.memref_slice %arg3[%add3A, %dma_start3A_17] : memref<32x10240xf32, #tpu.memory_space<hbm>> -> memref<1x10240xf32, #tpu.memory_space<hbm>>
      %dma_start3A_19 = tpu.memref_squeeze %dma_start3A_18 : memref<1x10240xf32, #tpu.memory_space<hbm>> -> memref<10240xf32, #tpu.memory_space<hbm>>
      tpu.enqueue_dma source(%arg5 : memref<10240xf32, #tpu.memory_space<vmem>>) target(%dma_start3A_19 : memref<10240xf32, #tpu.memory_space<hbm>>) target_semaphore(%run_scoped3A : memref<!tpu.dma_semaphore, #tpu.memory_space<semaphore_mem>>)
      %dma_wait3A = arith.constant 0 : i32
      %dma_wait3A_20 = tpu.memref_slice %arg3[%add3A, %dma_wait3A] : memref<32x10240xf32, #tpu.memory_space<hbm>> -> memref<1x10240xf32, #tpu.memory_space<hbm>>
      %dma_wait3A_21 = tpu.memref_squeeze %dma_wait3A_20 : memref<1x10240xf32, #tpu.memory_space<hbm>> -> memref<10240xf32, #tpu.memory_space<hbm>>
      %dma_wait3A_22 = arith.constant 0 : i32
      %dma_wait3A_23 = tpu.memref_slice %arg3[%add3A, %dma_wait3A_22] : memref<32x10240xf32, #tpu.memory_space<hbm>> -> memref<1x10240xf32, #tpu.memory_space<hbm>>
      %dma_wait3A_24 = tpu.memref_squeeze %dma_wait3A_23 : memref<1x10240xf32, #tpu.memory_space<hbm>> -> memref<10240xf32, #tpu.memory_space<hbm>>
      tpu.wait_dma2 semaphore(%run_scoped3A : memref<!tpu.dma_semaphore, #tpu.memory_space<semaphore_mem>>) src(%arg5 : memref<10240xf32, #tpu.memory_space<vmem>>) dst(%dma_wait3A_24 : memref<10240xf32, #tpu.memory_space<hbm>>)
      tpu.yield
    }) : () -> ()
    return
  }
}

#map = affine_map<(d0, d1) -> (0, 0)>
#map1 = affine_map<(d0, d1) -> (0, 0, 0)>
module attributes {stable_mosaic.version = 14 : i64} {
  func.func @agg_kernel(%arg0: i32, %arg1: i32, %arg2: memref<10240x128xf32, #tpu.memory_space<hbm>>, %arg3: memref<32x79x128xi32, #tpu.memory_space<hbm>>, %arg4: memref<32x79x128xi32, #tpu.memory_space<hbm>>, %arg5: memref<20480x128xf32, #tpu.memory_space<hbm>>, %arg6: memref<79x128xi32, #tpu.memory_space<vmem>>, %arg7: memref<79x128xi32, #tpu.memory_space<vmem>>, %arg8: memref<128x128xf32, #tpu.memory_space<vmem>>, %arg9: memref<10240x128xf32, #tpu.memory_space<vmem_shared>>, %arg10: memref<!tpu.dma_semaphore, #tpu.memory_space<semaphore_mem>>) attributes {dimension_semantics = [#tpu.dimension_semantics<core_parallel>, #tpu.dimension_semantics<subcore_parallel>], iteration_bounds = array<i64: 2, 16>, scalar_prefetch = 0 : i64, scratch_operands = 5 : i64, tpu.core_type = #tpu.core_type<sc_vector_subcore>, window_params = [{transform_indices = #map}, {transform_indices = #map1}, {transform_indices = #map1}, {transform_indices = #map}]} {
    %mul3A = arith.constant 16 : i32
    %mul3A_0 = arith.muli %arg0, %mul3A : i32
    %add3A = arith.addi %mul3A_0, %arg1 : i32
    "tpu.region"() ({
      %run_scoped3A = tpu.sem_alloc : memref<!tpu.dma_semaphore, #tpu.memory_space<semaphore_mem>>
      %dma_start3A = arith.constant 0 : i32
      %dma_start3A_33 = arith.constant 0 : i32
      %dma_start3A_34 = tpu.memref_slice %arg3[%add3A, %dma_start3A, %dma_start3A_33] : memref<32x79x128xi32, #tpu.memory_space<hbm>> -> memref<1x79x128xi32, #tpu.memory_space<hbm>>
      %dma_start3A_35 = tpu.memref_squeeze %dma_start3A_34 : memref<1x79x128xi32, #tpu.memory_space<hbm>> -> memref<79x128xi32, #tpu.memory_space<hbm>>
      %dma_start3A_36 = arith.constant 0 : i32
      %dma_start3A_37 = arith.constant 0 : i32
      %dma_start3A_38 = tpu.memref_slice %arg3[%add3A, %dma_start3A_36, %dma_start3A_37] : memref<32x79x128xi32, #tpu.memory_space<hbm>> -> memref<1x79x128xi32, #tpu.memory_space<hbm>>
      %dma_start3A_39 = tpu.memref_squeeze %dma_start3A_38 : memref<1x79x128xi32, #tpu.memory_space<hbm>> -> memref<79x128xi32, #tpu.memory_space<hbm>>
      tpu.enqueue_dma source(%dma_start3A_39 : memref<79x128xi32, #tpu.memory_space<hbm>>) target(%arg6 : memref<79x128xi32, #tpu.memory_space<vmem>>) target_semaphore(%run_scoped3A : memref<!tpu.dma_semaphore, #tpu.memory_space<semaphore_mem>>)
      %dma_wait3A = arith.constant 0 : i32
      %dma_wait3A_40 = arith.constant 0 : i32
      %dma_wait3A_41 = tpu.memref_slice %arg3[%add3A, %dma_wait3A, %dma_wait3A_40] : memref<32x79x128xi32, #tpu.memory_space<hbm>> -> memref<1x79x128xi32, #tpu.memory_space<hbm>>
      %dma_wait3A_42 = tpu.memref_squeeze %dma_wait3A_41 : memref<1x79x128xi32, #tpu.memory_space<hbm>> -> memref<79x128xi32, #tpu.memory_space<hbm>>
      %dma_wait3A_43 = arith.constant 0 : i32
      %dma_wait3A_44 = arith.constant 0 : i32
      %dma_wait3A_45 = tpu.memref_slice %arg3[%add3A, %dma_wait3A_43, %dma_wait3A_44] : memref<32x79x128xi32, #tpu.memory_space<hbm>> -> memref<1x79x128xi32, #tpu.memory_space<hbm>>
      %dma_wait3A_46 = tpu.memref_squeeze %dma_wait3A_45 : memref<1x79x128xi32, #tpu.memory_space<hbm>> -> memref<79x128xi32, #tpu.memory_space<hbm>>
      tpu.wait_dma2 semaphore(%run_scoped3A : memref<!tpu.dma_semaphore, #tpu.memory_space<semaphore_mem>>) src(%dma_wait3A_46 : memref<79x128xi32, #tpu.memory_space<hbm>>) dst(%arg6 : memref<79x128xi32, #tpu.memory_space<vmem>>)
      tpu.yield
    }) : () -> ()
    "tpu.region"() ({
      %run_scoped3A = tpu.sem_alloc : memref<!tpu.dma_semaphore, #tpu.memory_space<semaphore_mem>>
      %dma_start3A = arith.constant 0 : i32
      %dma_start3A_33 = arith.constant 0 : i32
      %dma_start3A_34 = tpu.memref_slice %arg4[%add3A, %dma_start3A, %dma_start3A_33] : memref<32x79x128xi32, #tpu.memory_space<hbm>> -> memref<1x79x128xi32, #tpu.memory_space<hbm>>
      %dma_start3A_35 = tpu.memref_squeeze %dma_start3A_34 : memref<1x79x128xi32, #tpu.memory_space<hbm>> -> memref<79x128xi32, #tpu.memory_space<hbm>>
      %dma_start3A_36 = arith.constant 0 : i32
      %dma_start3A_37 = arith.constant 0 : i32
      %dma_start3A_38 = tpu.memref_slice %arg4[%add3A, %dma_start3A_36, %dma_start3A_37] : memref<32x79x128xi32, #tpu.memory_space<hbm>> -> memref<1x79x128xi32, #tpu.memory_space<hbm>>
      %dma_start3A_39 = tpu.memref_squeeze %dma_start3A_38 : memref<1x79x128xi32, #tpu.memory_space<hbm>> -> memref<79x128xi32, #tpu.memory_space<hbm>>
      tpu.enqueue_dma source(%dma_start3A_39 : memref<79x128xi32, #tpu.memory_space<hbm>>) target(%arg7 : memref<79x128xi32, #tpu.memory_space<vmem>>) target_semaphore(%run_scoped3A : memref<!tpu.dma_semaphore, #tpu.memory_space<semaphore_mem>>)
      %dma_wait3A = arith.constant 0 : i32
      %dma_wait3A_40 = arith.constant 0 : i32
      %dma_wait3A_41 = tpu.memref_slice %arg4[%add3A, %dma_wait3A, %dma_wait3A_40] : memref<32x79x128xi32, #tpu.memory_space<hbm>> -> memref<1x79x128xi32, #tpu.memory_space<hbm>>
      %dma_wait3A_42 = tpu.memref_squeeze %dma_wait3A_41 : memref<1x79x128xi32, #tpu.memory_space<hbm>> -> memref<79x128xi32, #tpu.memory_space<hbm>>
      %dma_wait3A_43 = arith.constant 0 : i32
      %dma_wait3A_44 = arith.constant 0 : i32
      %dma_wait3A_45 = tpu.memref_slice %arg4[%add3A, %dma_wait3A_43, %dma_wait3A_44] : memref<32x79x128xi32, #tpu.memory_space<hbm>> -> memref<1x79x128xi32, #tpu.memory_space<hbm>>
      %dma_wait3A_46 = tpu.memref_squeeze %dma_wait3A_45 : memref<1x79x128xi32, #tpu.memory_space<hbm>> -> memref<79x128xi32, #tpu.memory_space<hbm>>
      tpu.wait_dma2 semaphore(%run_scoped3A : memref<!tpu.dma_semaphore, #tpu.memory_space<semaphore_mem>>) src(%dma_wait3A_46 : memref<79x128xi32, #tpu.memory_space<hbm>>) dst(%arg7 : memref<79x128xi32, #tpu.memory_space<vmem>>)
      tpu.yield
    }) : () -> ()
    %broadcast_in_dim3A = arith.constant 0.000000e+00 : f32
    %broadcast_in_dim3A_1 = vector.broadcast %broadcast_in_dim3A : f32 to vector<16xf32>
    %scan3A = arith.constant 0 : i32
    %scan3A_2 = arith.constant 0 : i32
    %scan3A_3 = arith.constant 128 : i32
    %scan3A_4 = arith.addi %scan3A_2, %scan3A_3 : i32
    %scan3A_5 = arith.constant 4 : i32
    scf.for %scan3A_33 = %scan3A_2 to %scan3A_4 step %scan3A_5  : i32 {
      %swap3A = arith.index_cast %scan3A_33 : i32 to index
      %swap3A_34 = arith.constant 0 : index
      %swap3A_35 = tpu.vector_load %arg8[%swap3A, %swap3A_34] {strides = array<i32>} : memref<128x128xf32, #tpu.memory_space<vmem>>, vector<1x16xf32>,
      %swap3A_36 = vector.shape_cast %swap3A_35 : vector<1x16xf32> to vector<16xf32>
      %swap3A_37 = vector.shape_cast %broadcast_in_dim3A_1 : vector<16xf32> to vector<1x16xf32>
      tpu.vector_store %arg8[%swap3A, %swap3A_34], %swap3A_37 {strides = array<i32>} : memref<128x128xf32, #tpu.memory_space<vmem>>, vector<1x16xf32>,
      %swap3A_38 = arith.index_cast %scan3A_33 : i32 to index
      %swap3A_39 = arith.constant 16 : index
      %swap3A_40 = tpu.vector_load %arg8[%swap3A_38, %swap3A_39] {strides = array<i32>} : memref<128x128xf32, #tpu.memory_space<vmem>>, vector<1x16xf32>,
      %swap3A_41 = vector.shape_cast %swap3A_40 : vector<1x16xf32> to vector<16xf32>
      %swap3A_42 = vector.shape_cast %broadcast_in_dim3A_1 : vector<16xf32> to vector<1x16xf32>
      tpu.vector_store %arg8[%swap3A_38, %swap3A_39], %swap3A_42 {strides = array<i32>} : memref<128x128xf32, #tpu.memory_space<vmem>>, vector<1x16xf32>,
      %swap3A_43 = arith.index_cast %scan3A_33 : i32 to index
      %swap3A_44 = arith.constant 32 : index
      %swap3A_45 = tpu.vector_load %arg8[%swap3A_43, %swap3A_44] {strides = array<i32>} : memref<128x128xf32, #tpu.memory_space<vmem>>, vector<1x16xf32>,
      %swap3A_46 = vector.shape_cast %swap3A_45 : vector<1x16xf32> to vector<16xf32>
      %swap3A_47 = vector.shape_cast %broadcast_in_dim3A_1 : vector<16xf32> to vector<1x16xf32>
      tpu.vector_store %arg8[%swap3A_43, %swap3A_44], %swap3A_47 {strides = array<i32>} : memref<128x128xf32, #tpu.memory_space<vmem>>, vector<1x16xf32>,
      %swap3A_48 = arith.index_cast %scan3A_33 : i32 to index
      %swap3A_49 = arith.constant 48 : index
      %swap3A_50 = tpu.vector_load %arg8[%swap3A_48, %swap3A_49] {strides = array<i32>} : memref<128x128xf32, #tpu.memory_space<vmem>>, vector<1x16xf32>,
      %swap3A_51 = vector.shape_cast %swap3A_50 : vector<1x16xf32> to vector<16xf32>
      %swap3A_52 = vector.shape_cast %broadcast_in_dim3A_1 : vector<16xf32> to vector<1x16xf32>
      tpu.vector_store %arg8[%swap3A_48, %swap3A_49], %swap3A_52 {strides = array<i32>} : memref<128x128xf32, #tpu.memory_space<vmem>>, vector<1x16xf32>,
      %swap3A_53 = arith.index_cast %scan3A_33 : i32 to index
      %swap3A_54 = arith.constant 64 : index
      %swap3A_55 = tpu.vector_load %arg8[%swap3A_53, %swap3A_54] {strides = array<i32>} : memref<128x128xf32, #tpu.memory_space<vmem>>, vector<1x16xf32>,
      %swap3A_56 = vector.shape_cast %swap3A_55 : vector<1x16xf32> to vector<16xf32>
      %swap3A_57 = vector.shape_cast %broadcast_in_dim3A_1 : vector<16xf32> to vector<1x16xf32>
      tpu.vector_store %arg8[%swap3A_53, %swap3A_54], %swap3A_57 {strides = array<i32>} : memref<128x128xf32, #tpu.memory_space<vmem>>, vector<1x16xf32>,
      %swap3A_58 = arith.index_cast %scan3A_33 : i32 to index
      %swap3A_59 = arith.constant 80 : index
      %swap3A_60 = tpu.vector_load %arg8[%swap3A_58, %swap3A_59] {strides = array<i32>} : memref<128x128xf32, #tpu.memory_space<vmem>>, vector<1x16xf32>,
      %swap3A_61 = vector.shape_cast %swap3A_60 : vector<1x16xf32> to vector<16xf32>
      %swap3A_62 = vector.shape_cast %broadcast_in_dim3A_1 : vector<16xf32> to vector<1x16xf32>
      tpu.vector_store %arg8[%swap3A_58, %swap3A_59], %swap3A_62 {strides = array<i32>} : memref<128x128xf32, #tpu.memory_space<vmem>>, vector<1x16xf32>,
      %swap3A_63 = arith.index_cast %scan3A_33 : i32 to index
      %swap3A_64 = arith.constant 96 : index
      %swap3A_65 = tpu.vector_load %arg8[%swap3A_63, %swap3A_64] {strides = array<i32>} : memref<128x128xf32, #tpu.memory_space<vmem>>, vector<1x16xf32>,
      %swap3A_66 = vector.shape_cast %swap3A_65 : vector<1x16xf32> to vector<16xf32>
      %swap3A_67 = vector.shape_cast %broadcast_in_dim3A_1 : vector<16xf32> to vector<1x16xf32>
      tpu.vector_store %arg8[%swap3A_63, %swap3A_64], %swap3A_67 {strides = array<i32>} : memref<128x128xf32, #tpu.memory_space<vmem>>, vector<1x16xf32>,
      %swap3A_68 = arith.index_cast %scan3A_33 : i32 to index
      %swap3A_69 = arith.constant 112 : index
      %swap3A_70 = tpu.vector_load %arg8[%swap3A_68, %swap3A_69] {strides = array<i32>} : memref<128x128xf32, #tpu.memory_space<vmem>>, vector<1x16xf32>,
      %swap3A_71 = vector.shape_cast %swap3A_70 : vector<1x16xf32> to vector<16xf32>
      %swap3A_72 = vector.shape_cast %broadcast_in_dim3A_1 : vector<16xf32> to vector<1x16xf32>
      tpu.vector_store %arg8[%swap3A_68, %swap3A_69], %swap3A_72 {strides = array<i32>} : memref<128x128xf32, #tpu.memory_space<vmem>>, vector<1x16xf32>,
      %scan3A_73 = arith.constant 1 : i32
      %scan3A_74 = arith.addi %scan3A_33, %scan3A_73 : i32
      %swap3A_75 = arith.index_cast %scan3A_74 : i32 to index
      %swap3A_76 = arith.constant 0 : index
      %swap3A_77 = tpu.vector_load %arg8[%swap3A_75, %swap3A_76] {strides = array<i32>} : memref<128x128xf32, #tpu.memory_space<vmem>>, vector<1x16xf32>,
      %swap3A_78 = vector.shape_cast %swap3A_77 : vector<1x16xf32> to vector<16xf32>
      %swap3A_79 = vector.shape_cast %broadcast_in_dim3A_1 : vector<16xf32> to vector<1x16xf32>
      tpu.vector_store %arg8[%swap3A_75, %swap3A_76], %swap3A_79 {strides = array<i32>} : memref<128x128xf32, #tpu.memory_space<vmem>>, vector<1x16xf32>,
      %swap3A_80 = arith.index_cast %scan3A_74 : i32 to index
      %swap3A_81 = arith.constant 16 : index
      %swap3A_82 = tpu.vector_load %arg8[%swap3A_80, %swap3A_81] {strides = array<i32>} : memref<128x128xf32, #tpu.memory_space<vmem>>, vector<1x16xf32>,
      %swap3A_83 = vector.shape_cast %swap3A_82 : vector<1x16xf32> to vector<16xf32>
      %swap3A_84 = vector.shape_cast %broadcast_in_dim3A_1 : vector<16xf32> to vector<1x16xf32>
      tpu.vector_store %arg8[%swap3A_80, %swap3A_81], %swap3A_84 {strides = array<i32>} : memref<128x128xf32, #tpu.memory_space<vmem>>, vector<1x16xf32>,
      %swap3A_85 = arith.index_cast %scan3A_74 : i32 to index
      %swap3A_86 = arith.constant 32 : index
      %swap3A_87 = tpu.vector_load %arg8[%swap3A_85, %swap3A_86] {strides = array<i32>} : memref<128x128xf32, #tpu.memory_space<vmem>>, vector<1x16xf32>,
      %swap3A_88 = vector.shape_cast %swap3A_87 : vector<1x16xf32> to vector<16xf32>
      %swap3A_89 = vector.shape_cast %broadcast_in_dim3A_1 : vector<16xf32> to vector<1x16xf32>
      tpu.vector_store %arg8[%swap3A_85, %swap3A_86], %swap3A_89 {strides = array<i32>} : memref<128x128xf32, #tpu.memory_space<vmem>>, vector<1x16xf32>,
      %swap3A_90 = arith.index_cast %scan3A_74 : i32 to index
      %swap3A_91 = arith.constant 48 : index
      %swap3A_92 = tpu.vector_load %arg8[%swap3A_90, %swap3A_91] {strides = array<i32>} : memref<128x128xf32, #tpu.memory_space<vmem>>, vector<1x16xf32>,
      %swap3A_93 = vector.shape_cast %swap3A_92 : vector<1x16xf32> to vector<16xf32>
      %swap3A_94 = vector.shape_cast %broadcast_in_dim3A_1 : vector<16xf32> to vector<1x16xf32>
      tpu.vector_store %arg8[%swap3A_90, %swap3A_91], %swap3A_94 {strides = array<i32>} : memref<128x128xf32, #tpu.memory_space<vmem>>, vector<1x16xf32>,
      %swap3A_95 = arith.index_cast %scan3A_74 : i32 to index
      %swap3A_96 = arith.constant 64 : index
      %swap3A_97 = tpu.vector_load %arg8[%swap3A_95, %swap3A_96] {strides = array<i32>} : memref<128x128xf32, #tpu.memory_space<vmem>>, vector<1x16xf32>,
      %swap3A_98 = vector.shape_cast %swap3A_97 : vector<1x16xf32> to vector<16xf32>
      %swap3A_99 = vector.shape_cast %broadcast_in_dim3A_1 : vector<16xf32> to vector<1x16xf32>
      tpu.vector_store %arg8[%swap3A_95, %swap3A_96], %swap3A_99 {strides = array<i32>} : memref<128x128xf32, #tpu.memory_space<vmem>>, vector<1x16xf32>,
      %swap3A_100 = arith.index_cast %scan3A_74 : i32 to index
      %swap3A_101 = arith.constant 80 : index
      %swap3A_102 = tpu.vector_load %arg8[%swap3A_100, %swap3A_101] {strides = array<i32>} : memref<128x128xf32, #tpu.memory_space<vmem>>, vector<1x16xf32>,
      %swap3A_103 = vector.shape_cast %swap3A_102 : vector<1x16xf32> to vector<16xf32>
      %swap3A_104 = vector.shape_cast %broadcast_in_dim3A_1 : vector<16xf32> to vector<1x16xf32>
      tpu.vector_store %arg8[%swap3A_100, %swap3A_101], %swap3A_104 {strides = array<i32>} : memref<128x128xf32, #tpu.memory_space<vmem>>, vector<1x16xf32>,
      %swap3A_105 = arith.index_cast %scan3A_74 : i32 to index
      %swap3A_106 = arith.constant 96 : index
      %swap3A_107 = tpu.vector_load %arg8[%swap3A_105, %swap3A_106] {strides = array<i32>} : memref<128x128xf32, #tpu.memory_space<vmem>>, vector<1x16xf32>,
      %swap3A_108 = vector.shape_cast %swap3A_107 : vector<1x16xf32> to vector<16xf32>
      %swap3A_109 = vector.shape_cast %broadcast_in_dim3A_1 : vector<16xf32> to vector<1x16xf32>
      tpu.vector_store %arg8[%swap3A_105, %swap3A_106], %swap3A_109 {strides = array<i32>} : memref<128x128xf32, #tpu.memory_space<vmem>>, vector<1x16xf32>,
      %swap3A_110 = arith.index_cast %scan3A_74 : i32 to index
      %swap3A_111 = arith.constant 112 : index
      %swap3A_112 = tpu.vector_load %arg8[%swap3A_110, %swap3A_111] {strides = array<i32>} : memref<128x128xf32, #tpu.memory_space<vmem>>, vector<1x16xf32>,
      %swap3A_113 = vector.shape_cast %swap3A_112 : vector<1x16xf32> to vector<16xf32>
      %swap3A_114 = vector.shape_cast %broadcast_in_dim3A_1 : vector<16xf32> to vector<1x16xf32>
      tpu.vector_store %arg8[%swap3A_110, %swap3A_111], %swap3A_114 {strides = array<i32>} : memref<128x128xf32, #tpu.memory_space<vmem>>, vector<1x16xf32>,
      %scan3A_115 = arith.constant 2 : i32
      %scan3A_116 = arith.addi %scan3A_33, %scan3A_115 : i32
      %swap3A_117 = arith.index_cast %scan3A_116 : i32 to index
      %swap3A_118 = arith.constant 0 : index
      %swap3A_119 = tpu.vector_load %arg8[%swap3A_117, %swap3A_118] {strides = array<i32>} : memref<128x128xf32, #tpu.memory_space<vmem>>, vector<1x16xf32>,
      %swap3A_120 = vector.shape_cast %swap3A_119 : vector<1x16xf32> to vector<16xf32>
      %swap3A_121 = vector.shape_cast %broadcast_in_dim3A_1 : vector<16xf32> to vector<1x16xf32>
      tpu.vector_store %arg8[%swap3A_117, %swap3A_118], %swap3A_121 {strides = array<i32>} : memref<128x128xf32, #tpu.memory_space<vmem>>, vector<1x16xf32>,
      %swap3A_122 = arith.index_cast %scan3A_116 : i32 to index
      %swap3A_123 = arith.constant 16 : index
      %swap3A_124 = tpu.vector_load %arg8[%swap3A_122, %swap3A_123] {strides = array<i32>} : memref<128x128xf32, #tpu.memory_space<vmem>>, vector<1x16xf32>,
      %swap3A_125 = vector.shape_cast %swap3A_124 : vector<1x16xf32> to vector<16xf32>
      %swap3A_126 = vector.shape_cast %broadcast_in_dim3A_1 : vector<16xf32> to vector<1x16xf32>
      tpu.vector_store %arg8[%swap3A_122, %swap3A_123], %swap3A_126 {strides = array<i32>} : memref<128x128xf32, #tpu.memory_space<vmem>>, vector<1x16xf32>,
      %swap3A_127 = arith.index_cast %scan3A_116 : i32 to index
      %swap3A_128 = arith.constant 32 : index
      %swap3A_129 = tpu.vector_load %arg8[%swap3A_127, %swap3A_128] {strides = array<i32>} : memref<128x128xf32, #tpu.memory_space<vmem>>, vector<1x16xf32>,
      %swap3A_130 = vector.shape_cast %swap3A_129 : vector<1x16xf32> to vector<16xf32>
      %swap3A_131 = vector.shape_cast %broadcast_in_dim3A_1 : vector<16xf32> to vector<1x16xf32>
      tpu.vector_store %arg8[%swap3A_127, %swap3A_128], %swap3A_131 {strides = array<i32>} : memref<128x128xf32, #tpu.memory_space<vmem>>, vector<1x16xf32>,
      %swap3A_132 = arith.index_cast %scan3A_116 : i32 to index
      %swap3A_133 = arith.constant 48 : index
      %swap3A_134 = tpu.vector_load %arg8[%swap3A_132, %swap3A_133] {strides = array<i32>} : memref<128x128xf32, #tpu.memory_space<vmem>>, vector<1x16xf32>,
      %swap3A_135 = vector.shape_cast %swap3A_134 : vector<1x16xf32> to vector<16xf32>
      %swap3A_136 = vector.shape_cast %broadcast_in_dim3A_1 : vector<16xf32> to vector<1x16xf32>
      tpu.vector_store %arg8[%swap3A_132, %swap3A_133], %swap3A_136 {strides = array<i32>} : memref<128x128xf32, #tpu.memory_space<vmem>>, vector<1x16xf32>,
      %swap3A_137 = arith.index_cast %scan3A_116 : i32 to index
      %swap3A_138 = arith.constant 64 : index
      %swap3A_139 = tpu.vector_load %arg8[%swap3A_137, %swap3A_138] {strides = array<i32>} : memref<128x128xf32, #tpu.memory_space<vmem>>, vector<1x16xf32>,
      %swap3A_140 = vector.shape_cast %swap3A_139 : vector<1x16xf32> to vector<16xf32>
      %swap3A_141 = vector.shape_cast %broadcast_in_dim3A_1 : vector<16xf32> to vector<1x16xf32>
      tpu.vector_store %arg8[%swap3A_137, %swap3A_138], %swap3A_141 {strides = array<i32>} : memref<128x128xf32, #tpu.memory_space<vmem>>, vector<1x16xf32>,
      %swap3A_142 = arith.index_cast %scan3A_116 : i32 to index
      %swap3A_143 = arith.constant 80 : index
      %swap3A_144 = tpu.vector_load %arg8[%swap3A_142, %swap3A_143] {strides = array<i32>} : memref<128x128xf32, #tpu.memory_space<vmem>>, vector<1x16xf32>,
      %swap3A_145 = vector.shape_cast %swap3A_144 : vector<1x16xf32> to vector<16xf32>
      %swap3A_146 = vector.shape_cast %broadcast_in_dim3A_1 : vector<16xf32> to vector<1x16xf32>
      tpu.vector_store %arg8[%swap3A_142, %swap3A_143], %swap3A_146 {strides = array<i32>} : memref<128x128xf32, #tpu.memory_space<vmem>>, vector<1x16xf32>,
      %swap3A_147 = arith.index_cast %scan3A_116 : i32 to index
      %swap3A_148 = arith.constant 96 : index
      %swap3A_149 = tpu.vector_load %arg8[%swap3A_147, %swap3A_148] {strides = array<i32>} : memref<128x128xf32, #tpu.memory_space<vmem>>, vector<1x16xf32>,
      %swap3A_150 = vector.shape_cast %swap3A_149 : vector<1x16xf32> to vector<16xf32>
      %swap3A_151 = vector.shape_cast %broadcast_in_dim3A_1 : vector<16xf32> to vector<1x16xf32>
      tpu.vector_store %arg8[%swap3A_147, %swap3A_148], %swap3A_151 {strides = array<i32>} : memref<128x128xf32, #tpu.memory_space<vmem>>, vector<1x16xf32>,
      %swap3A_152 = arith.index_cast %scan3A_116 : i32 to index
      %swap3A_153 = arith.constant 112 : index
      %swap3A_154 = tpu.vector_load %arg8[%swap3A_152, %swap3A_153] {strides = array<i32>} : memref<128x128xf32, #tpu.memory_space<vmem>>, vector<1x16xf32>,
      %swap3A_155 = vector.shape_cast %swap3A_154 : vector<1x16xf32> to vector<16xf32>
      %swap3A_156 = vector.shape_cast %broadcast_in_dim3A_1 : vector<16xf32> to vector<1x16xf32>
      tpu.vector_store %arg8[%swap3A_152, %swap3A_153], %swap3A_156 {strides = array<i32>} : memref<128x128xf32, #tpu.memory_space<vmem>>, vector<1x16xf32>,
      %scan3A_157 = arith.constant 3 : i32
      %scan3A_158 = arith.addi %scan3A_33, %scan3A_157 : i32
      %swap3A_159 = arith.index_cast %scan3A_158 : i32 to index
      %swap3A_160 = arith.constant 0 : index
      %swap3A_161 = tpu.vector_load %arg8[%swap3A_159, %swap3A_160] {strides = array<i32>} : memref<128x128xf32, #tpu.memory_space<vmem>>, vector<1x16xf32>,
      %swap3A_162 = vector.shape_cast %swap3A_161 : vector<1x16xf32> to vector<16xf32>
      %swap3A_163 = vector.shape_cast %broadcast_in_dim3A_1 : vector<16xf32> to vector<1x16xf32>
      tpu.vector_store %arg8[%swap3A_159, %swap3A_160], %swap3A_163 {strides = array<i32>} : memref<128x128xf32, #tpu.memory_space<vmem>>, vector<1x16xf32>,
      %swap3A_164 = arith.index_cast %scan3A_158 : i32 to index
      %swap3A_165 = arith.constant 16 : index
      %swap3A_166 = tpu.vector_load %arg8[%swap3A_164, %swap3A_165] {strides = array<i32>} : memref<128x128xf32, #tpu.memory_space<vmem>>, vector<1x16xf32>,
      %swap3A_167 = vector.shape_cast %swap3A_166 : vector<1x16xf32> to vector<16xf32>
      %swap3A_168 = vector.shape_cast %broadcast_in_dim3A_1 : vector<16xf32> to vector<1x16xf32>
      tpu.vector_store %arg8[%swap3A_164, %swap3A_165], %swap3A_168 {strides = array<i32>} : memref<128x128xf32, #tpu.memory_space<vmem>>, vector<1x16xf32>,
      %swap3A_169 = arith.index_cast %scan3A_158 : i32 to index
      %swap3A_170 = arith.constant 32 : index
      %swap3A_171 = tpu.vector_load %arg8[%swap3A_169, %swap3A_170] {strides = array<i32>} : memref<128x128xf32, #tpu.memory_space<vmem>>, vector<1x16xf32>,
      %swap3A_172 = vector.shape_cast %swap3A_171 : vector<1x16xf32> to vector<16xf32>
      %swap3A_173 = vector.shape_cast %broadcast_in_dim3A_1 : vector<16xf32> to vector<1x16xf32>
      tpu.vector_store %arg8[%swap3A_169, %swap3A_170], %swap3A_173 {strides = array<i32>} : memref<128x128xf32, #tpu.memory_space<vmem>>, vector<1x16xf32>,
      %swap3A_174 = arith.index_cast %scan3A_158 : i32 to index
      %swap3A_175 = arith.constant 48 : index
      %swap3A_176 = tpu.vector_load %arg8[%swap3A_174, %swap3A_175] {strides = array<i32>} : memref<128x128xf32, #tpu.memory_space<vmem>>, vector<1x16xf32>,
      %swap3A_177 = vector.shape_cast %swap3A_176 : vector<1x16xf32> to vector<16xf32>
      %swap3A_178 = vector.shape_cast %broadcast_in_dim3A_1 : vector<16xf32> to vector<1x16xf32>
      tpu.vector_store %arg8[%swap3A_174, %swap3A_175], %swap3A_178 {strides = array<i32>} : memref<128x128xf32, #tpu.memory_space<vmem>>, vector<1x16xf32>,
      %swap3A_179 = arith.index_cast %scan3A_158 : i32 to index
      %swap3A_180 = arith.constant 64 : index
      %swap3A_181 = tpu.vector_load %arg8[%swap3A_179, %swap3A_180] {strides = array<i32>} : memref<128x128xf32, #tpu.memory_space<vmem>>, vector<1x16xf32>,
      %swap3A_182 = vector.shape_cast %swap3A_181 : vector<1x16xf32> to vector<16xf32>
      %swap3A_183 = vector.shape_cast %broadcast_in_dim3A_1 : vector<16xf32> to vector<1x16xf32>
      tpu.vector_store %arg8[%swap3A_179, %swap3A_180], %swap3A_183 {strides = array<i32>} : memref<128x128xf32, #tpu.memory_space<vmem>>, vector<1x16xf32>,
      %swap3A_184 = arith.index_cast %scan3A_158 : i32 to index
      %swap3A_185 = arith.constant 80 : index
      %swap3A_186 = tpu.vector_load %arg8[%swap3A_184, %swap3A_185] {strides = array<i32>} : memref<128x128xf32, #tpu.memory_space<vmem>>, vector<1x16xf32>,
      %swap3A_187 = vector.shape_cast %swap3A_186 : vector<1x16xf32> to vector<16xf32>
      %swap3A_188 = vector.shape_cast %broadcast_in_dim3A_1 : vector<16xf32> to vector<1x16xf32>
      tpu.vector_store %arg8[%swap3A_184, %swap3A_185], %swap3A_188 {strides = array<i32>} : memref<128x128xf32, #tpu.memory_space<vmem>>, vector<1x16xf32>,
      %swap3A_189 = arith.index_cast %scan3A_158 : i32 to index
      %swap3A_190 = arith.constant 96 : index
      %swap3A_191 = tpu.vector_load %arg8[%swap3A_189, %swap3A_190] {strides = array<i32>} : memref<128x128xf32, #tpu.memory_space<vmem>>, vector<1x16xf32>,
      %swap3A_192 = vector.shape_cast %swap3A_191 : vector<1x16xf32> to vector<16xf32>
      %swap3A_193 = vector.shape_cast %broadcast_in_dim3A_1 : vector<16xf32> to vector<1x16xf32>
      tpu.vector_store %arg8[%swap3A_189, %swap3A_190], %swap3A_193 {strides = array<i32>} : memref<128x128xf32, #tpu.memory_space<vmem>>, vector<1x16xf32>,
      %swap3A_194 = arith.index_cast %scan3A_158 : i32 to index
      %swap3A_195 = arith.constant 112 : index
      %swap3A_196 = tpu.vector_load %arg8[%swap3A_194, %swap3A_195] {strides = array<i32>} : memref<128x128xf32, #tpu.memory_space<vmem>>, vector<1x16xf32>,
      %swap3A_197 = vector.shape_cast %swap3A_196 : vector<1x16xf32> to vector<16xf32>
      %swap3A_198 = vector.shape_cast %broadcast_in_dim3A_1 : vector<16xf32> to vector<1x16xf32>
      tpu.vector_store %arg8[%swap3A_194, %swap3A_195], %swap3A_198 {strides = array<i32>} : memref<128x128xf32, #tpu.memory_space<vmem>>, vector<1x16xf32>,
    }
    %scan3A_6 = arith.constant 128 : i32
    %mul3A_7 = arith.constant 640 : i32
    %mul3A_8 = arith.muli %arg1, %mul3A_7 : i32
    %add3A_9 = arith.constant 0 : i32
    %add3A_10 = arith.addi %mul3A_8, %add3A_9 : i32
    "tpu.region"() ({
      %run_scoped3A = tpu.sem_alloc : memref<!tpu.dma_semaphore, #tpu.memory_space<semaphore_mem>>
      %dma_start3A = arith.constant 0 : i32
      %dma_start3A_33 = tpu.memref_slice %arg9[%add3A_10, %dma_start3A] : memref<10240x128xf32, #tpu.memory_space<vmem_shared>> -> memref<128x128xf32, #tpu.memory_space<vmem_shared>>
      %dma_start3A_34 = arith.constant 0 : i32
      %dma_start3A_35 = tpu.memref_slice %arg9[%add3A_10, %dma_start3A_34] : memref<10240x128xf32, #tpu.memory_space<vmem_shared>> -> memref<128x128xf32, #tpu.memory_space<vmem_shared>>
      tpu.enqueue_dma source(%arg8 : memref<128x128xf32, #tpu.memory_space<vmem>>) target(%dma_start3A_35 : memref<128x128xf32, #tpu.memory_space<vmem_shared>>) target_semaphore(%run_scoped3A : memref<!tpu.dma_semaphore, #tpu.memory_space<semaphore_mem>>)
      %dma_wait3A = arith.constant 0 : i32
      %dma_wait3A_36 = tpu.memref_slice %arg9[%add3A_10, %dma_wait3A] : memref<10240x128xf32, #tpu.memory_space<vmem_shared>> -> memref<128x128xf32, #tpu.memory_space<vmem_shared>>
      %dma_wait3A_37 = arith.constant 0 : i32
      %dma_wait3A_38 = tpu.memref_slice %arg9[%add3A_10, %dma_wait3A_37] : memref<10240x128xf32, #tpu.memory_space<vmem_shared>> -> memref<128x128xf32, #tpu.memory_space<vmem_shared>>
      tpu.wait_dma2 semaphore(%run_scoped3A : memref<!tpu.dma_semaphore, #tpu.memory_space<semaphore_mem>>) src(%arg8 : memref<128x128xf32, #tpu.memory_space<vmem>>) dst(%dma_wait3A_38 : memref<128x128xf32, #tpu.memory_space<vmem_shared>>)
      tpu.yield
    }) : () -> ()
    %add3A_11 = arith.constant 128 : i32
    %add3A_12 = arith.addi %mul3A_8, %add3A_11 : i32
    "tpu.region"() ({
      %run_scoped3A = tpu.sem_alloc : memref<!tpu.dma_semaphore, #tpu.memory_space<semaphore_mem>>
      %dma_start3A = arith.constant 0 : i32
      %dma_start3A_33 = tpu.memref_slice %arg9[%add3A_12, %dma_start3A] : memref<10240x128xf32, #tpu.memory_space<vmem_shared>> -> memref<128x128xf32, #tpu.memory_space<vmem_shared>>
      %dma_start3A_34 = arith.constant 0 : i32
      %dma_start3A_35 = tpu.memref_slice %arg9[%add3A_12, %dma_start3A_34] : memref<10240x128xf32, #tpu.memory_space<vmem_shared>> -> memref<128x128xf32, #tpu.memory_space<vmem_shared>>
      tpu.enqueue_dma source(%arg8 : memref<128x128xf32, #tpu.memory_space<vmem>>) target(%dma_start3A_35 : memref<128x128xf32, #tpu.memory_space<vmem_shared>>) target_semaphore(%run_scoped3A : memref<!tpu.dma_semaphore, #tpu.memory_space<semaphore_mem>>)
      %dma_wait3A = arith.constant 0 : i32
      %dma_wait3A_36 = tpu.memref_slice %arg9[%add3A_12, %dma_wait3A] : memref<10240x128xf32, #tpu.memory_space<vmem_shared>> -> memref<128x128xf32, #tpu.memory_space<vmem_shared>>
      %dma_wait3A_37 = arith.constant 0 : i32
      %dma_wait3A_38 = tpu.memref_slice %arg9[%add3A_12, %dma_wait3A_37] : memref<10240x128xf32, #tpu.memory_space<vmem_shared>> -> memref<128x128xf32, #tpu.memory_space<vmem_shared>>
      tpu.wait_dma2 semaphore(%run_scoped3A : memref<!tpu.dma_semaphore, #tpu.memory_space<semaphore_mem>>) src(%arg8 : memref<128x128xf32, #tpu.memory_space<vmem>>) dst(%dma_wait3A_38 : memref<128x128xf32, #tpu.memory_space<vmem_shared>>)
      tpu.yield
    }) : () -> ()
    %add3A_13 = arith.constant 256 : i32
    %add3A_14 = arith.addi %mul3A_8, %add3A_13 : i32
    "tpu.region"() ({
      %run_scoped3A = tpu.sem_alloc : memref<!tpu.dma_semaphore, #tpu.memory_space<semaphore_mem>>
      %dma_start3A = arith.constant 0 : i32
      %dma_start3A_33 = tpu.memref_slice %arg9[%add3A_14, %dma_start3A] : memref<10240x128xf32, #tpu.memory_space<vmem_shared>> -> memref<128x128xf32, #tpu.memory_space<vmem_shared>>
      %dma_start3A_34 = arith.constant 0 : i32
      %dma_start3A_35 = tpu.memref_slice %arg9[%add3A_14, %dma_start3A_34] : memref<10240x128xf32, #tpu.memory_space<vmem_shared>> -> memref<128x128xf32, #tpu.memory_space<vmem_shared>>
      tpu.enqueue_dma source(%arg8 : memref<128x128xf32, #tpu.memory_space<vmem>>) target(%dma_start3A_35 : memref<128x128xf32, #tpu.memory_space<vmem_shared>>) target_semaphore(%run_scoped3A : memref<!tpu.dma_semaphore, #tpu.memory_space<semaphore_mem>>)
      %dma_wait3A = arith.constant 0 : i32
      %dma_wait3A_36 = tpu.memref_slice %arg9[%add3A_14, %dma_wait3A] : memref<10240x128xf32, #tpu.memory_space<vmem_shared>> -> memref<128x128xf32, #tpu.memory_space<vmem_shared>>
      %dma_wait3A_37 = arith.constant 0 : i32
      %dma_wait3A_38 = tpu.memref_slice %arg9[%add3A_14, %dma_wait3A_37] : memref<10240x128xf32, #tpu.memory_space<vmem_shared>> -> memref<128x128xf32, #tpu.memory_space<vmem_shared>>
      tpu.wait_dma2 semaphore(%run_scoped3A : memref<!tpu.dma_semaphore, #tpu.memory_space<semaphore_mem>>) src(%arg8 : memref<128x128xf32, #tpu.memory_space<vmem>>) dst(%dma_wait3A_38 : memref<128x128xf32, #tpu.memory_space<vmem_shared>>)
      tpu.yield
    }) : () -> ()
    %add3A_15 = arith.constant 384 : i32
    %add3A_16 = arith.addi %mul3A_8, %add3A_15 : i32
    "tpu.region"() ({
      %run_scoped3A = tpu.sem_alloc : memref<!tpu.dma_semaphore, #tpu.memory_space<semaphore_mem>>
      %dma_start3A = arith.constant 0 : i32
      %dma_start3A_33 = tpu.memref_slice %arg9[%add3A_16, %dma_start3A] : memref<10240x128xf32, #tpu.memory_space<vmem_shared>> -> memref<128x128xf32, #tpu.memory_space<vmem_shared>>
      %dma_start3A_34 = arith.constant 0 : i32
      %dma_start3A_35 = tpu.memref_slice %arg9[%add3A_16, %dma_start3A_34] : memref<10240x128xf32, #tpu.memory_space<vmem_shared>> -> memref<128x128xf32, #tpu.memory_space<vmem_shared>>
      tpu.enqueue_dma source(%arg8 : memref<128x128xf32, #tpu.memory_space<vmem>>) target(%dma_start3A_35 : memref<128x128xf32, #tpu.memory_space<vmem_shared>>) target_semaphore(%run_scoped3A : memref<!tpu.dma_semaphore, #tpu.memory_space<semaphore_mem>>)
      %dma_wait3A = arith.constant 0 : i32
      %dma_wait3A_36 = tpu.memref_slice %arg9[%add3A_16, %dma_wait3A] : memref<10240x128xf32, #tpu.memory_space<vmem_shared>> -> memref<128x128xf32, #tpu.memory_space<vmem_shared>>
      %dma_wait3A_37 = arith.constant 0 : i32
      %dma_wait3A_38 = tpu.memref_slice %arg9[%add3A_16, %dma_wait3A_37] : memref<10240x128xf32, #tpu.memory_space<vmem_shared>> -> memref<128x128xf32, #tpu.memory_space<vmem_shared>>
      tpu.wait_dma2 semaphore(%run_scoped3A : memref<!tpu.dma_semaphore, #tpu.memory_space<semaphore_mem>>) src(%arg8 : memref<128x128xf32, #tpu.memory_space<vmem>>) dst(%dma_wait3A_38 : memref<128x128xf32, #tpu.memory_space<vmem_shared>>)
      tpu.yield
    }) : () -> ()
    %add3A_17 = arith.constant 512 : i32
    %add3A_18 = arith.addi %mul3A_8, %add3A_17 : i32
    "tpu.region"() ({
      %run_scoped3A = tpu.sem_alloc : memref<!tpu.dma_semaphore, #tpu.memory_space<semaphore_mem>>
      %dma_start3A = arith.constant 0 : i32
      %dma_start3A_33 = tpu.memref_slice %arg9[%add3A_18, %dma_start3A] : memref<10240x128xf32, #tpu.memory_space<vmem_shared>> -> memref<128x128xf32, #tpu.memory_space<vmem_shared>>
      %dma_start3A_34 = arith.constant 0 : i32
      %dma_start3A_35 = tpu.memref_slice %arg9[%add3A_18, %dma_start3A_34] : memref<10240x128xf32, #tpu.memory_space<vmem_shared>> -> memref<128x128xf32, #tpu.memory_space<vmem_shared>>
      tpu.enqueue_dma source(%arg8 : memref<128x128xf32, #tpu.memory_space<vmem>>) target(%dma_start3A_35 : memref<128x128xf32, #tpu.memory_space<vmem_shared>>) target_semaphore(%run_scoped3A : memref<!tpu.dma_semaphore, #tpu.memory_space<semaphore_mem>>)
      %dma_wait3A = arith.constant 0 : i32
      %dma_wait3A_36 = tpu.memref_slice %arg9[%add3A_18, %dma_wait3A] : memref<10240x128xf32, #tpu.memory_space<vmem_shared>> -> memref<128x128xf32, #tpu.memory_space<vmem_shared>>
      %dma_wait3A_37 = arith.constant 0 : i32
      %dma_wait3A_38 = tpu.memref_slice %arg9[%add3A_18, %dma_wait3A_37] : memref<10240x128xf32, #tpu.memory_space<vmem_shared>> -> memref<128x128xf32, #tpu.memory_space<vmem_shared>>
      tpu.wait_dma2 semaphore(%run_scoped3A : memref<!tpu.dma_semaphore, #tpu.memory_space<semaphore_mem>>) src(%arg8 : memref<128x128xf32, #tpu.memory_space<vmem>>) dst(%dma_wait3A_38 : memref<128x128xf32, #tpu.memory_space<vmem_shared>>)
      tpu.yield
    }) : () -> ()
    %barrier3A = arith.constant 0 : index
    tpu.barrier barrier_id(%barrier3A)
    %scan3A_19 = arith.constant 0 : i32
    %scan3A_20 = arith.constant 0 : i32
    %scan3A_21 = arith.constant 79 : i32
    %scan3A_22 = arith.addi %scan3A_20, %scan3A_21 : i32
    %scan3A_23 = arith.constant 1 : i32
    scf.for %scan3A_33 = %scan3A_20 to %scan3A_22 step %scan3A_23  : i32 {
      %dma_start3A = arith.constant 0 : i32
      %dma_start3A_34 = tpu.memref_slice %arg6[%scan3A_33, %dma_start3A] : memref<79x128xi32, #tpu.memory_space<vmem>> -> memref<1x128xi32, #tpu.memory_space<vmem>>
      %dma_start3A_35 = tpu.memref_squeeze %dma_start3A_34 : memref<1x128xi32, #tpu.memory_space<vmem>> -> memref<128xi32, #tpu.memory_space<vmem>>
      %dma_start3A_36 = arith.constant 0 : i32
      %dma_start3A_37 = arith.constant 0 : i32
      %dma_start3A_38 = tpu.memref_slice %arg2[%dma_start3A_36, %dma_start3A_37] : memref<10240x128xf32, #tpu.memory_space<hbm>> -> memref<10240x128xf32, #tpu.memory_space<hbm>>
      tpu.enqueue_indirect_dma source(%dma_start3A_38 : memref<10240x128xf32, #tpu.memory_space<hbm>>) target(%arg8 : memref<128x128xf32, #tpu.memory_space<vmem>>) offsets(%dma_start3A_35 : memref<128xi32, #tpu.memory_space<vmem>>) semaphore(%arg10 : memref<!tpu.dma_semaphore, #tpu.memory_space<semaphore_mem>>)
      %dma_wait3A = arith.constant 0 : i32
      %dma_wait3A_39 = tpu.memref_slice %arg6[%scan3A_33, %dma_wait3A] : memref<79x128xi32, #tpu.memory_space<vmem>> -> memref<1x128xi32, #tpu.memory_space<vmem>>
      %dma_wait3A_40 = tpu.memref_squeeze %dma_wait3A_39 : memref<1x128xi32, #tpu.memory_space<vmem>> -> memref<128xi32, #tpu.memory_space<vmem>>
      %dma_wait3A_41 = arith.constant 0 : i32
      %dma_wait3A_42 = arith.constant 0 : i32
      %dma_wait3A_43 = tpu.memref_slice %arg2[%dma_wait3A_41, %dma_wait3A_42] : memref<10240x128xf32, #tpu.memory_space<hbm>> -> memref<10240x128xf32, #tpu.memory_space<hbm>>
      tpu.wait_indirect_dma semaphore(%arg10 : memref<!tpu.dma_semaphore, #tpu.memory_space<semaphore_mem>>) src(%dma_wait3A_43 : memref<10240x128xf32, #tpu.memory_space<hbm>>) dst(%arg8 : memref<128x128xf32, #tpu.memory_space<vmem>>)
      "tpu.region"() ({
        %run_scoped3A = tpu.sem_alloc : memref<!tpu.dma_semaphore, #tpu.memory_space<semaphore_mem>>
        %dma_start3A_44 = arith.constant 0 : i32
        %dma_start3A_45 = tpu.memref_slice %arg7[%scan3A_33, %dma_start3A_44] : memref<79x128xi32, #tpu.memory_space<vmem>> -> memref<1x128xi32, #tpu.memory_space<vmem>>
        %dma_start3A_46 = tpu.memref_squeeze %dma_start3A_45 : memref<1x128xi32, #tpu.memory_space<vmem>> -> memref<128xi32, #tpu.memory_space<vmem>>
        %dma_start3A_47 = arith.constant 0 : i32
        %dma_start3A_48 = arith.constant 0 : i32
        %dma_start3A_49 = tpu.memref_slice %arg9[%dma_start3A_47, %dma_start3A_48] : memref<10240x128xf32, #tpu.memory_space<vmem_shared>> -> memref<10240x128xf32, #tpu.memory_space<vmem_shared>>
        tpu.enqueue_indirect_dma source(%arg8 : memref<128x128xf32, #tpu.memory_space<vmem>>) target(%dma_start3A_49 : memref<10240x128xf32, #tpu.memory_space<vmem_shared>>) offsets(%dma_start3A_46 : memref<128xi32, #tpu.memory_space<vmem>>) semaphore(%run_scoped3A : memref<!tpu.dma_semaphore, #tpu.memory_space<semaphore_mem>>) {add = true}
        %dma_wait3A_50 = arith.constant 0 : i32
        %dma_wait3A_51 = tpu.memref_slice %arg7[%scan3A_33, %dma_wait3A_50] : memref<79x128xi32, #tpu.memory_space<vmem>> -> memref<1x128xi32, #tpu.memory_space<vmem>>
        %dma_wait3A_52 = tpu.memref_squeeze %dma_wait3A_51 : memref<1x128xi32, #tpu.memory_space<vmem>> -> memref<128xi32, #tpu.memory_space<vmem>>
        %dma_wait3A_53 = arith.constant 0 : i32
        %dma_wait3A_54 = arith.constant 0 : i32
        %dma_wait3A_55 = tpu.memref_slice %arg9[%dma_wait3A_53, %dma_wait3A_54] : memref<10240x128xf32, #tpu.memory_space<vmem_shared>> -> memref<10240x128xf32, #tpu.memory_space<vmem_shared>>
        tpu.wait_indirect_dma semaphore(%run_scoped3A : memref<!tpu.dma_semaphore, #tpu.memory_space<semaphore_mem>>) src(%arg8 : memref<128x128xf32, #tpu.memory_space<vmem>>) dst(%dma_wait3A_55 : memref<10240x128xf32, #tpu.memory_space<vmem_shared>>)
        tpu.yield
      }) : () -> ()
    }
    %scan3A_24 = arith.constant 79 : i32
    %barrier3A_25 = arith.constant 0 : index
    tpu.barrier barrier_id(%barrier3A_25)
    %mul3A_26 = arith.constant 640 : i32
    %mul3A_27 = arith.muli %arg1, %mul3A_26 : i32
    %mul3A_28 = arith.constant 10240 : i32
    %mul3A_29 = arith.muli %arg0, %mul3A_28 : i32
    %mul3A_30 = arith.constant 640 : i32
    %mul3A_31 = arith.muli %arg1, %mul3A_30 : i32
    %add3A_32 = arith.addi %mul3A_29, %mul3A_31 : i32
    "tpu.region"() ({
      %run_scoped3A = tpu.sem_alloc : memref<!tpu.dma_semaphore, #tpu.memory_space<semaphore_mem>>
      %dma_start3A = arith.constant 0 : i32
      %dma_start3A_33 = tpu.memref_slice %arg5[%add3A_32, %dma_start3A] : memref<20480x128xf32, #tpu.memory_space<hbm>> -> memref<640x128xf32, #tpu.memory_space<hbm>>
      %dma_start3A_34 = arith.constant 0 : i32
      %dma_start3A_35 = tpu.memref_slice %arg9[%mul3A_27, %dma_start3A_34] : memref<10240x128xf32, #tpu.memory_space<vmem_shared>> -> memref<640x128xf32, #tpu.memory_space<vmem_shared>>
      tpu.enqueue_dma source(%dma_start3A_35 : memref<640x128xf32, #tpu.memory_space<vmem_shared>>) target(%dma_start3A_33 : memref<640x128xf32, #tpu.memory_space<hbm>>) target_semaphore(%run_scoped3A : memref<!tpu.dma_semaphore, #tpu.memory_space<semaphore_mem>>)
      %dma_wait3A = arith.constant 0 : i32
      %dma_wait3A_36 = tpu.memref_slice %arg5[%add3A_32, %dma_wait3A] : memref<20480x128xf32, #tpu.memory_space<hbm>> -> memref<640x128xf32, #tpu.memory_space<hbm>>
      %dma_wait3A_37 = arith.constant 0 : i32
      %dma_wait3A_38 = tpu.memref_slice %arg9[%mul3A_27, %dma_wait3A_37] : memref<10240x128xf32, #tpu.memory_space<vmem_shared>> -> memref<640x128xf32, #tpu.memory_space<vmem_shared>>
      tpu.wait_dma2 semaphore(%run_scoped3A : memref<!tpu.dma_semaphore, #tpu.memory_space<semaphore_mem>>) src(%dma_wait3A_38 : memref<640x128xf32, #tpu.memory_space<vmem_shared>>) dst(%dma_wait3A_36 : memref<640x128xf32, #tpu.memory_space<hbm>>)
      tpu.yield
    }) : () -> ()
    return
  }
}

module attributes {stable_mosaic.version = 14 : i64} {
  func.func @_scale_kernel(%arg0: i32, %arg1: memref<32x10240xf32, #tpu.memory_space<vmem>>, %arg2: memref<10240x128xf32, #tpu.memory_space<vmem>>, %arg3: memref<10240x128xf32, #tpu.memory_space<vmem>>, %arg4: memref<10240x16xf32, #tpu.memory_space<vmem>>) attributes {dimension_semantics = [#tpu.dimension_semantics<arbitrary>], iteration_bounds = array<i64: 1>, scalar_prefetch = 0 : i64, scratch_operands = 0 : i64, tpu.core_type = #tpu.core_type<tc>, window_params = [{transform_indices = @transform_0, window_bounds = array<i64: 32, 10240>}, {transform_indices = @transform_1, window_bounds = array<i64: 10240, 128>}, {transform_indices = @transform_2, window_bounds = array<i64: 10240, 128>}, {transform_indices = @transform_3, window_bounds = array<i64: 10240, 16>}]} {
    %get3A = arith.constant 0 : index
    %get3A_0 = arith.constant 0 : index
    %get3A_1 = vector.load %arg1[%get3A, %get3A_0] : memref<32x10240xf32, #tpu.memory_space<vmem>>, vector<32x10240xf32>
    %reduce_sum3A = arith.constant dense<0.000000e+00> : vector<10240xf32>
    %reduce_sum3A_2 = vector.multi_reduction <add>, %get3A_1, %reduce_sum3A [0] : vector<32x10240xf32> to vector<10240xf32>
    %broadcast_in_dim3A = vector.shape_cast %reduce_sum3A_2 : vector<10240xf32> to vector<10240x1xf32>
    %gt3A = arith.constant 0.000000e+00 : f32
    %gt3A_3 = vector.broadcast %gt3A : f32 to vector<10240x1xf32>
    %gt3A_4 = arith.cmpf ogt, %broadcast_in_dim3A, %gt3A_3 : vector<10240x1xf32>
    %max3A = arith.constant 1.000000e-30 : f32
    %max3A_5 = vector.broadcast %max3A : f32 to vector<10240x1xf32>
    %max3A_6 = arith.maximumf %broadcast_in_dim3A, %max3A_5 : vector<10240x1xf32>
    %rsqrt3A = math.rsqrt %max3A_6 : vector<10240x1xf32>
    %jit3A = arith.constant 0.000000e+00 : f32
    %broadcast_in_dim3A_7 = vector.broadcast %jit3A : f32 to vector<10240x1xf32>
    %select_n3A = arith.select %gt3A_4, %rsqrt3A, %broadcast_in_dim3A_7 : vector<10240x1xi1>, vector<10240x1xf32>
    %get3A_8 = arith.constant 0 : index
    %get3A_9 = arith.constant 0 : index
    %get3A_10 = vector.load %arg2[%get3A_8, %get3A_9] : memref<10240x128xf32, #tpu.memory_space<vmem>>, vector<10240x128xf32>
    %mul3A = vector.broadcast %select_n3A : vector<10240x1xf32> to vector<10240x128xf32>
    %mul3A_11 = arith.mulf %mul3A, %get3A_10 : vector<10240x128xf32>
    %swap3A = arith.constant 0 : index
    %swap3A_12 = arith.constant 0 : index
    %swap3A_13 = vector.load %arg3[%swap3A, %swap3A_12] : memref<10240x128xf32, #tpu.memory_space<vmem>>, vector<10240x128xf32>
    tpu.vector_store %arg3[%swap3A, %swap3A_12], %mul3A_11 {strides = array<i32>} : memref<10240x128xf32, #tpu.memory_space<vmem>>, vector<10240x128xf32>,
    %broadcast_in_dim3A_14 = vector.shape_cast %select_n3A : vector<10240x1xf32> to vector<10240x1xf32>
    %broadcast_in_dim3A_15 = vector.broadcast %broadcast_in_dim3A_14 : vector<10240x1xf32> to vector<10240x16xf32>
    %swap3A_16 = arith.constant 0 : index
    %swap3A_17 = arith.constant 0 : index
    %swap3A_18 = vector.load %arg4[%swap3A_16, %swap3A_17] : memref<10240x16xf32, #tpu.memory_space<vmem>>, vector<10240x16xf32>
    tpu.vector_store %arg4[%swap3A_16, %swap3A_17], %broadcast_in_dim3A_15 {strides = array<i32>} : memref<10240x16xf32, #tpu.memory_space<vmem>>, vector<10240x16xf32>,
    return
  }
  func.func @transform_0(%arg0: i32) -> (i32, i32) {
    %c0_i32 = arith.constant 0 : i32
    %c0_i32_0 = arith.constant 0 : i32
    return %c0_i32, %arg0 : i32, i32
  }
  func.func @transform_1(%arg0: i32) -> (i32, i32) {
    %c0_i32 = arith.constant 0 : i32
    %c0_i32_0 = arith.constant 0 : i32
    return %arg0, %c0_i32 : i32, i32
  }
  func.func @transform_2(%arg0: i32) -> (i32, i32) {
    %c0_i32 = arith.constant 0 : i32
    %c0_i32_0 = arith.constant 0 : i32
    return %arg0, %c0_i32 : i32, i32
  }
  func.func @transform_3(%arg0: i32) -> (i32, i32) {
    %c0_i32 = arith.constant 0 : i32
    %c0_i32_0 = arith.constant 0 : i32
    return %arg0, %c0_i32 : i32, i32
  }
}

module attributes {stable_mosaic.version = 14 : i64} {
  func.func @_head_kernel(%arg0: i32, %arg1: memref<10240x128xf32, #tpu.memory_space<vmem>>, %arg2: memref<10240x128xf32, #tpu.memory_space<vmem>>, %arg3: memref<10240x16xf32, #tpu.memory_space<vmem>>, %arg4: memref<128x128xf32, #tpu.memory_space<vmem>>, %arg5: memref<1x128xf32, #tpu.memory_space<vmem>>, %arg6: memref<10240x128xf32, #tpu.memory_space<vmem>>) attributes {dimension_semantics = [#tpu.dimension_semantics<arbitrary>], iteration_bounds = array<i64: 1>, scalar_prefetch = 0 : i64, scratch_operands = 0 : i64, tpu.core_type = #tpu.core_type<tc>, window_params = [{transform_indices = @transform_0, window_bounds = array<i64: 10240, 128>}, {transform_indices = @transform_1, window_bounds = array<i64: 10240, 128>}, {transform_indices = @transform_2, window_bounds = array<i64: 10240, 16>}, {pipeline_mode = #tpu.pipeline_mode<synchronous>, transform_indices = @transform_3, window_bounds = array<i64: 128, 128>}, {pipeline_mode = #tpu.pipeline_mode<synchronous>, transform_indices = @transform_4, window_bounds = array<i64: 1, 128>}, {transform_indices = @transform_5, window_bounds = array<i64: 10240, 128>}]} {
    %get3A = arith.constant 0 : index
    %get3A_0 = arith.constant 0 : index
    %get3A_1 = vector.load %arg3[%get3A, %get3A_0] : memref<10240x16xf32, #tpu.memory_space<vmem>>, vector<10240x1xf32>
    %get3A_2 = arith.constant 0 : index
    %get3A_3 = arith.constant 0 : index
    %get3A_4 = vector.load %arg1[%get3A_2, %get3A_3] : memref<10240x128xf32, #tpu.memory_space<vmem>>, vector<10240x128xf32>
    %get3A_5 = arith.constant 0 : index
    %get3A_6 = arith.constant 0 : index
    %get3A_7 = vector.load %arg2[%get3A_5, %get3A_6] : memref<10240x128xf32, #tpu.memory_space<vmem>>, vector<10240x128xf32>
    %add3A = arith.addf %get3A_4, %get3A_7 : vector<10240x128xf32>
    %mul3A = vector.broadcast %get3A_1 : vector<10240x1xf32> to vector<10240x128xf32>
    %mul3A_8 = arith.mulf %mul3A, %add3A : vector<10240x128xf32>
    %get3A_9 = arith.constant 0 : index
    %get3A_10 = arith.constant 0 : index
    %get3A_11 = vector.load %arg4[%get3A_9, %get3A_10] : memref<128x128xf32, #tpu.memory_space<vmem>>, vector<128x128xf32>
    %dot_general3A = arith.constant dense<0.000000e+00> : vector<10240x128xf32>
    %dot_general3A_12 = tpu.matmul %mul3A_8, %get3A_11, %dot_general3A {dimension_numbers = #tpu.dot_dimension_numbers<[1], [0], [0], [1], [0, 0, 1, 1], [], []>, transpose_lhs_hint = false} : vector<10240x128xf32>, vector<128x128xf32>, vector<10240x128xf32> -> vector<10240x128xf32>
    %get3A_13 = arith.constant 0 : index
    %get3A_14 = arith.constant 0 : index
    %get3A_15 = vector.load %arg5[%get3A_13, %get3A_14] : memref<1x128xf32, #tpu.memory_space<vmem>>, vector<1x128xf32>
    %add3A_16 = vector.broadcast %get3A_15 : vector<1x128xf32> to vector<10240x128xf32>
    %add3A_17 = arith.addf %dot_general3A_12, %add3A_16 : vector<10240x128xf32>
    %max3A = arith.constant 0.000000e+00 : f32
    %max3A_18 = vector.broadcast %max3A : f32 to vector<10240x128xf32>
    %max3A_19 = arith.maximumf %add3A_17, %max3A_18 : vector<10240x128xf32>
    %swap3A = arith.constant 0 : index
    %swap3A_20 = arith.constant 0 : index
    %swap3A_21 = vector.load %arg6[%swap3A, %swap3A_20] : memref<10240x128xf32, #tpu.memory_space<vmem>>, vector<10240x128xf32>
    tpu.vector_store %arg6[%swap3A, %swap3A_20], %max3A_19 {strides = array<i32>} : memref<10240x128xf32, #tpu.memory_space<vmem>>, vector<10240x128xf32>,
    return
  }
  func.func @transform_0(%arg0: i32) -> (i32, i32) {
    %c0_i32 = arith.constant 0 : i32
    %c0_i32_0 = arith.constant 0 : i32
    return %arg0, %c0_i32 : i32, i32
  }
  func.func @transform_1(%arg0: i32) -> (i32, i32) {
    %c0_i32 = arith.constant 0 : i32
    %c0_i32_0 = arith.constant 0 : i32
    return %arg0, %c0_i32 : i32, i32
  }
  func.func @transform_2(%arg0: i32) -> (i32, i32) {
    %c0_i32 = arith.constant 0 : i32
    %c0_i32_0 = arith.constant 0 : i32
    return %arg0, %c0_i32 : i32, i32
  }
  func.func @transform_3(%arg0: i32) -> (i32, i32) {
    %c0_i32 = arith.constant 0 : i32
    %c0_i32_0 = arith.constant 0 : i32
    %c0_i32_1 = arith.constant 0 : i32
    return %c0_i32, %c0_i32_0 : i32, i32
  }
  func.func @transform_4(%arg0: i32) -> (i32, i32) {
    %c0_i32 = arith.constant 0 : i32
    %c0_i32_0 = arith.constant 0 : i32
    %c0_i32_1 = arith.constant 0 : i32
    return %c0_i32, %c0_i32_0 : i32, i32
  }
  func.func @transform_5(%arg0: i32) -> (i32, i32) {
    %c0_i32 = arith.constant 0 : i32
    %c0_i32_0 = arith.constant 0 : i32
    return %arg0, %c0_i32 : i32, i32
  }
}

</mosaic_0001>

<sc_bundles>
// kernel: kernel.6.cloned.1.call-start
scs
__scs_entry_jumppad:
0x0: {  	(pc) =	sbr.rel $0x88, $3  }
0x1: {  	(tag) =	ssettag $0x0;
	lr =	simm.s32 $0x1  }
0x2: {  	[smem:$0x3F9D] =	sst lr;
	_ =	strace $0xD0000000  }
0x3: {  	_ = 	snop  }
0x4: {  	_ = 	snop  }
0x5: {  	_ = 	snop  }
0x6: {  	_ = 	snop  }
0x7: {  	_ = 	snop  }
__scs_overlays_trampoline_lowered:
0x8: {  	[smem:$0x3FAC] =	sst s0  }
0x9: {  	[smem:$0x3FAD] =	sst s1  }
0xa: {  	[smem:$0x3FAE] =	sst s2  }
0xb: {  	[smem:$0x3FAF] =	sst s3  }
0xc: {  	[smem:$0x3FB0] =	sst s4  }
0xd: {  	[smem:$0x3FB1] =	sst s5  }
0xe: {  	[smem:$0x3FB2] =	sst s6  }
0xf: {  	[smem:$0x3FB3] =	sst s7  }
0x10: {  	[smem:$0x3FB4] =	sst s8  }
0x11: {  	[smem:$0x3FB5] =	sst s9;
	s0 =	simm.s32 @!p0 $0x0  }
0x12: {  	s1 =	sld [smem:$0x3F9B];
	s0 =	simm.s32 @p0 $0x1  }
0x13: {  	[smem:$0x3FB6] =	sst s0;
	s0 =	simm.s32 @!p1 $0x0  }
0x14: {  	s2 =	sld [smem:$0x3F9A];
	s0 =	simm.s32 @p1 $0x1  }
0x15: {  	[smem:$0x3FB7] =	sst s0;
	s0 =	simm.s32 @!p2 $0x0  }
0x16: {  	s3 =	sld [smem:$0x3FDB];
	s0 =	simm.s32 @p2 $0x1  }
0x17: {  	s4 =	simm.s32 $0x1BF5;
	[smem:$0x3FB9] =	sst s0  }
0x18: {  	s0 =	sld [smem:$0x3F9C];
	_ =	swait.ge [sflag:s4], $0x0  }
0x19: {  	s7 =	sld [smem:$0x3F9D]  }
0x1a: {  	s8 =	sadd.s32 $0xFFFFE003, lr  }
0x1b: {  	s9 =	sadd.s32 $0xFFFFFEF7, lr;
	s5 =	simm.s32 $0xFFFFFFFF;
	p2 =	slt.u32 s8, $0xFFFFF086  }
0x1c: {  	p1 =	slt.u32 s9, $0xF7A;
	s5 =	simm.s32 @!p2 $0x0  }
0x1d: {  	s5 =	simm.s32 @p1 $0x1;
	p0 =	seq.s32 s7, s2  }
0x1e: {  	s7 =	smul.u32 @!p0 $0xF7A, s2;
	p2 =	seq.s32 @!p0 s5, $0x0  }
0x1f: {  	s9 =	smul.u32 $0xF7A, s1;
	s8 =	simm.s32 @!p0 $0x1BF5;
	p2 =	por !p2, p0  }
0x20: {  	[sflag:s8] =	ssyncset.s32 @!p0 $0xFFFFF086;
	s6 =	sadd.s32 @!p0 s3, s7;
	s7 =	simm.s32 @!p0 $0x108  }
0x21: {  	s3 =	sadd.s32 s3, s9;
	s6 =	sadd.s32 @!p0 $0x88, s6;
	s7 =	simm.s32 @p2 $0x1082  }
0x22: {  	[simem:s7], [sflag:s8] =	dma.local @!p0 [hbm:s6], $0xF7A  }
0x23: {  	s9 =	sor.u32 $0xD0000000, s2;
	s6 =	simm.s32 $0x108;
	_ =	swait.ge @!p0 [sflag:s8], $0x0  }
0x24: {  	s3 =	sadd.s32 $0x88, s3;
	s6 =	simm.s32 @!p1 $0x1082;
	[sflag:s4] =	ssyncset.s32 $0xFFFFF086  }
0x25: {  	[simem:s6], [sflag:s4] =	dma.local [hbm:s3], $0xF7A  }
0x26: {  	[smem:$0x3F9D] =	sst s1;
	(tag) =	ssettag s2;
	_ =	strace s9  }
0x27: {  	s1 =	sld [smem:$0x3FAD]  }
0x28: {  	s2 =	sld [smem:$0x3FAE]  }
0x29: {  	s4 =	sld [smem:$0x3FB0]  }
0x2a: {  	p0 =	seq.s32 s5, $0x0;
	s5 =	sld [smem:$0x3FB1]  }
0x2b: {  	s6 =	sld [smem:$0x3FB2]  }
0x2c: {  	s7 =	sld [smem:$0x3FB3]  }
0x2d: {  	s3 =	simm.s32 $0x108;
	s8 =	sld [smem:$0x3FB4]  }
0x2e: {  	s3 =	simm.s32 @!p0 $0x1082;
	s9 =	sld [smem:$0x3FB5]  }
0x2f: {  	lr =	sadd.s32 s0, s3;
	s0 =	sld [smem:$0x3FAC]  }
0x30: {  	s3 =	sld [smem:$0x3FAF]  }
0x31: {  	[smem:$0x3FB8] =	sst s10  }
0x32: {  	s10 =	sld [smem:$0x3FB6];
	_ =	sdelay $0x3  }
0x33: {  	p0 =	seq.s32 s10, $0x1;
	s10 =	sld [smem:$0x3FB8];
	_ =	sdelay $0x3  }
0x34: {  	[smem:$0x3FB8] =	sst s10  }
0x35: {  	s10 =	sld [smem:$0x3FB7];
	_ =	sdelay $0x3  }
0x36: {  	p1 =	seq.s32 s10, $0x1;
	s10 =	sld [smem:$0x3FB8];
	_ =	sdelay $0x3  }
0x37: {  	[smem:$0x3FB8] =	sst s10  }
0x38: {  	s10 =	sld [smem:$0x3FB9]  }
0x39: {  	_ = 	snop;
	(pc) =	sbr.ind lr, $3  }
0x3a: {  	_ = 	snop  }
0x3b: {  	_ = 	snop  }
0x3c: {  	p2 =	seq.s32 s10, $0x1;
	s10 =	sld [smem:$0x3FB8]  }
0x3d: {  	_ =	shalt  }
0x3e: {  	_ =	shalt  }
0x3f: {  	_ =	shalt  }
0x40: {  	_ =	shalt  }
0x41: {  	_ =	shalt  }
0x42: {  	_ =	shalt  }
0x43: {  	_ =	shalt  }
0x44: {  	_ =	shalt  }
0x45: {  	_ =	shalt  }
0x46: {  	_ =	shalt  }
0x47: {  	_ =	shalt  }
0x48: {  	_ =	shalt  }
0x49: {  	_ =	shalt  }
0x4a: {  	_ =	shalt  }
0x4b: {  	_ =	shalt  }
0x4c: {  	_ =	shalt  }
0x4d: {  	_ =	shalt  }
0x4e: {  	_ =	shalt  }
0x4f: {  	_ =	shalt  }
0x50: {  	_ =	shalt  }
0x51: {  	_ =	shalt  }
0x52: {  	_ =	shalt  }
0x53: {  	_ =	shalt  }
0x54: {  	_ =	shalt  }
0x55: {  	_ =	shalt  }
0x56: {  	_ =	shalt  }
0x57: {  	_ =	shalt  }
0x58: {  	_ =	shalt  }
0x59: {  	_ =	shalt  }
0x5a: {  	_ =	shalt  }
0x5b: {  	_ =	shalt  }
0x5c: {  	_ =	shalt  }
0x5d: {  	_ =	shalt  }
0x5e: {  	_ =	shalt  }
0x5f: {  	_ =	shalt  }
0x60: {  	_ =	shalt  }
0x61: {  	_ =	shalt  }
0x62: {  	_ =	shalt  }
0x63: {  	_ =	shalt  }
0x64: {  	_ =	shalt  }
0x65: {  	_ =	shalt  }
0x66: {  	_ =	shalt  }
0x67: {  	_ =	shalt  }
0x68: {  	_ =	shalt  }
0x69: {  	_ =	shalt  }
0x6a: {  	_ =	shalt  }
0x6b: {  	_ =	shalt  }
0x6c: {  	_ =	shalt  }
0x6d: {  	_ =	shalt  }
0x6e: {  	_ =	shalt  }
0x6f: {  	_ =	shalt  }
0x70: {  	_ =	shalt  }
0x71: {  	_ =	shalt  }
0x72: {  	_ =	shalt  }
0x73: {  	_ =	shalt  }
0x74: {  	_ =	shalt  }
0x75: {  	_ =	shalt  }
0x76: {  	_ =	shalt  }
0x77: {  	_ =	shalt  }
0x78: {  	_ =	shalt  }
0x79: {  	_ =	shalt  }
0x7a: {  	_ =	shalt  }
0x7b: {  	_ =	shalt  }
0x7c: {  	_ =	shalt  }
0x7d: {  	_ =	shalt  }
0x7e: {  	_ =	shalt  }
0x7f: {  	_ =	shalt  }
0x80: {  	_ =	shalt  }
0x81: {  	_ =	shalt  }
0x82: {  	_ =	shalt  }
0x83: {  	_ =	shalt  }
0x84: {  	_ =	shalt  }
0x85: {  	_ =	shalt  }
0x86: {  	_ =	shalt  }
0x87: {  	_ =	shalt  }
.Lfunc_end0:
.L_simem_size_0:
called_computation_lowered:
.L_overlay_start_0:
0x88: {  	s2 =	sld [smem:$0x3FD9]  }
0x89: {  	s3 =	sld [smem:$0x3FFE];
	_ =	sdelay $0x1  }
0x8a: {  	s1 =	srdreg.scid  }
0x8b: {  	s0 =	sand.u32 $0x1, s1  }
0x8c: {  	s17 =	sshll.u32 s0, $0xA;
	s2 =	sadd.s32 s3, s2  }
0x8d: {  	s2 =	sadd.s32 s2, s17  }
0x8e: {  	[smem:$0x3FC4] =	sst s2  }
0x8f: {  	_ = 	snop  }
0x90: {  	s2 =	sld [smem:$0x3FD0];
	(tm) =	ssettm $0x1  }
0x91: {  	s18 =	sld [smem:$0x3FFB];
	_ =	sdelay $0x3  }
0x92: {  	_ =	strace s18  }
0x93: {  	s3 =	sld [smem:$0x3FFC];
	_ =	sdelay $0x3  }
0x94: {  	_ =	strace s3  }
0x95: {  	s3 =	sld [smem:$0x3FFD];
	_ =	sdelay $0x3  }
0x96: {  	_ =	strace s3  }
0x97: {  	_ =	strace $0x8FFFFFFF  }
0x98: {  	s19 =	sld [smem:$0x3FDB];
	_ =	sdelay $0x1  }
0x99: {  	s4 =	simm.s32 $_scs_section_size  }
0x9a: {  	s5 =	simm.s32 $_size__tile_overlayer_lowered;
	s6 =	simm.s32 $_tile_overlayer_lowered  }
0x9b: {  	s22 =	simm.s32 $0x1BFF;
	s21 =	sshll.u32 s6, $0x1;
	s3 =	sadd.s32 s4, s19  }
0x9c: {  	s7 =	simm.s32 $0x0;
	s20 =	sshll.u32 s5, $0x1;
	s5 =	sadd.s32 s21, s3  }
0x9d: {  	[timem:s7], [sflag:s22] =	dma.local [hbm:s5], s20  }
0x9e: {  	_ =	swait.ge [sflag:s22], s20  }
0x9f: {  	s4 =	ssub.s32 $0x0, s20;
	[sflag:s22] =	ssyncset.done $0x0  }
0xa0: {  	[sflag:s22] =	ssyncadd.s32 s4;
	_ =	sdelay $0x1  }
0xa1: {  	s23 =	simm.s32 $0x1B8B  }
0xa2: {  	_ =	swait.ge [sflag:s23], $0x1  }
0xa3: {  	[sflag:s23] =	ssyncset.done $0x0  }
0xa4: {  	s25 =	simm.s32 $0x1B8E;
	s24 =	sld [smem:$0x3FFE];
	[sflag:s23] =	ssyncadd.s32 $0xFFFFFFFF  }
0xa5: {  	s26 =	simm.s32 $execute0_lowered;
	[smem:$0x3FD2] =	sst s25  }
0xa6: {  	s5 =	sshll.u32 s26, $0x1;
	_ =	strace $0x80000046;
	[dreg:$0x1] =	wrdreg $0xFFFFFFFF  }
0xa7: {  	s28 =	simm.s32 $_size_execute0_lowered;
	s3 =	sadd.s32 s3, s5;
	[dreg:$0x0] =	wrdreg $0x0  }
0xa8: {  	s5 =	sshll.u32 s28, $0x1;
	[dreg:$0x2] =	wrdreg s3  }
0xa9: {  	[dreg:$0x3] =	wrdreg s5  }
0xaa: {  	[dreg:$0x4] =	wrdreg $0xC0  }
0xab: {  	_ =	task [dreg:s7], $0x5FFFF  }
0xac: {  	[dreg:$0x1] =	wrdreg $0xFFFFFFFF  }
0xad: {  	[dreg:$0x0] =	wrdreg $0x60  }
0xae: {  	[dreg:$0x2] =	wrdreg s2  }
0xaf: {  	[dreg:$0x3] =	wrdreg s24  }
0xb0: {  	[dreg:$0x4] =	wrdreg $0x9  }
0xb1: {  	_ =	task.clear_ibuf [dreg:s7], $0x5FFFF;
	_ =	strace $0x90000046  }
0xb2: {  	s29 =	simm.s32 $0x9;
	_ =	strace $0x80000048  }
0xb3: {  	_ =	swait.ge [sflag:s29], $0x1  }
0xb4: {  	[sflag:s29] =	ssyncadd.s32 $0xFFFFFFFF  }
0xb5: {  	_ =	strace $0x90000048  }
0xb6: {  	_ =	sfence  }
0xb7: {  	s30 =	sld [smem:$0x0];
	_ =	sdelay $0x2  }
0xb8: {  	s31 =	sshll.u32 s1, $0xD;
	s1 =	sshrl.u32 s1, $0x2  }
0xb9: {  	s3 =	sand.u32 $0x4000, s31;
	s1 =	sadd.s32 s1, s30  }
0xba: {  	s0 =	sor.u32 s3, s0;
	s1 =	sshll.u32 s1, $0x11  }
0xbb: {  	s0 =	sor.u32 s1, s0  }
0xbc: {  	s0 =	sadd.s32 $0x8F2B, s0  }
0xbd: {  	[sflag:s0] =	ssyncadd.remote.s32 $0x1  }
0xbe: {  	_ =	sfence.sel $0xFFFF  }
0xbf: {  	[dreg:$0x0] =	wrdreg $0xFFFFFFFF;
	(pc) =	sbr.abs _section_cstart, $3  }
0xc0: {  	[dreg:$0x1] =	wrdreg $0xFFFFFFFF  }
0xc1: {  	_ =	task.clear_ibuf [dreg:s7], $0x2FFFF;
	_ =	strace $0x9FFFFFFF  }
0xc2: {  	(tm) =	ssettm $0x7FFFFFFF  }
0xc3: {  	_ =	shalt  }
tec
execute0_lowered:
.L_overlay_start_1:
0x0: {  	(tag) =	ssettag $0x1  }
0x1: {  	s0 =	srdreg.scid  }
0x2: {  	s3 =	sand.u32 $0x1, s0  }
0x3: {  	s0 =	stileid.u32;
	s1 =	sshll.u32 s3, $0x4  }
0x4: {  	s5 =	rddreg [dreg:$0x0];
	s4 =	sor.u32 s0, s1  }
0x5: {  	s6 =	rddreg [dreg:$0x1];
	s2 =	simm.s32 $0x0;
	s1 =	sshrl.u32 s4, $0x3  }
0x6: {  	s9 =	simm.s32 $0x400;
	s8 =	sshll.u32 s0, $0x7;
	s7 =	smul.u32 $0x14000, s1  }
0x7: {  	s10 =	simm.s32 $0x0;
	s3 =	ssub.s32 $0x2, s3;
	s8 =	sand.u32 $0x380, s8  }
0x8: {  	[smem:$0x7FF] =	sst s2;
	s31 =	sshrl.u32 s3, $0x1;
	s7 =	sor.u32 s8, s7  }
0x9: {  	s4 =	smul.u32 $0x500, s4;
	s1 =	rddreg [dreg:$0x2];
	s7 =	sshrl.u32 s7, $0x3  }
0xa: {  	_ =	strace $0x80000047;
	s8 =	simm.s32 $0x80;
	s6 =	sadd.s32 s7, s6  }
0xb: {  	s7 =	ssub.s32 s3, s31;
	s3 =	sadd.s32 s5, s4;
	s4 =	sadd.s32 $0x1400, s6  }
0xc: {  	v0 =	vimm.f32 $0.0e+00;
	v1 =	vimm.f32 $1.000000000e+00;
	s5 =	smax.u32 s7, $0x1;
	s6 =	simm.s32 $0x1;
	s7 =	simm.s32 $0x2800  }
.LBB2_1:
0xd: {  	[tilespmem:s2], [sflag:$0x1] =	stream.linear.gather [hbm4b:s3+s2], $0x2780, $0x38;
	[tilespmem:$0x5000] =	vst v63  }
0xe: {  	_ =	swait.ge [sflag:s6], $0x2780  }
0xf: {  	[sflag:s6] =	ssyncset.done $0x0  }
0x10: {  	s11 =	simm.s32 $0x2840;
	[sflag:s6] =	ssyncadd.s32 $0xFFFFD880  }
0x11: {  	[tilespmem:s11+$0xFFFFFFC0] =	vst v0  }
0x12: {  	[tilespmem:s11+$0x30] =	vst v0  }
0x13: {  	[tilespmem:s11+$0x20] =	vst v0  }
0x14: {  	[tilespmem:s11+$0x10] =	vst v0  }
0x15: {  	[tilespmem:s11+$0x0] =	vst v0  }
0x16: {  	[tilespmem:s11+$0xFFFFFFF0] =	vst v0  }
0x17: {  	s12 =	simm.s32 $0x0;
	[tilespmem:s11+$0xFFFFFFE0] =	vst v0  }
.LBB2_2:
0x18: {  	s12 =	sadd.s32 $0x8, s12;
	[tilespmem:s11+$0xFFFFFFD0] =	vst v0;
	s11 =	sadd.s32 $0x80, s11  }
0x19: {  	[tilespmem:s11+$0xFFFFFFC0] =	vst v0;
	p0 =	slt.u32 s12, $0x278  }
0x1a: {  	[tilespmem:s11+$0x30] =	vst v0  }
.Ltmp0:
0x1b: {  	[tilespmem:s11+$0x20] =	vst v0;
	(pc) =	sbr.rel @p0 .LBB2_2-.Ltmp0, $4  }
0x1c: {  	[tilespmem:s11+$0x10] =	vst v0  }
0x1d: {  	[tilespmem:s11+$0x0] =	vst v0  }
0x1e: {  	[tilespmem:s11+$0xFFFFFFF0] =	vst v0  }
0x1f: {  	[tilespmem:s11+$0xFFFFFFE0] =	vst v0  }
0x20: {  	[tilespmem:s11+$0xFFFFFFD0] =	vst v0;
	s11 =	simm.s32 $0x0  }
.LBB2_4:
0x21: {  	s12 =	sshra.s32 s11, $0x2  }
0x22: {  	v2 =	vld [tilespmem:s12+$0x0];
	_ =	sdelay $0x7  }
0x23: {  	[tilespmem:v2+s7+$0x0] =	vst.idx.add.f32.msk $0xffff, v1  }
0x24: {  	v2 =	vld [tilespmem:s12+$0x10];
	_ =	sdelay $0x7  }
0x25: {  	[tilespmem:v2+s7+$0x0] =	vst.idx.add.f32.msk $0xffff, v1  }
0x26: {  	v2 =	vld [tilespmem:s12+$0x20];
	_ =	sdelay $0x7  }
0x27: {  	[tilespmem:v2+s7+$0x0] =	vst.idx.add.f32.msk $0xffff, v1  }
0x28: {  	v2 =	vld [tilespmem:s12+$0x30];
	_ =	sdelay $0x7  }
0x29: {  	[tilespmem:v2+s7+$0x0] =	vst.idx.add.f32.msk $0xffff, v1  }
0x2a: {  	v2 =	vld [tilespmem:s12+$0x40];
	_ =	sdelay $0x7  }
0x2b: {  	[tilespmem:v2+s7+$0x0] =	vst.idx.add.f32.msk $0xffff, v1  }
0x2c: {  	v2 =	vld [tilespmem:s12+$0x50];
	_ =	sdelay $0x7  }
0x2d: {  	[tilespmem:v2+s7+$0x0] =	vst.idx.add.f32.msk $0xffff, v1  }
0x2e: {  	v2 =	vld [tilespmem:s12+$0x60];
	_ =	sdelay $0x7  }
0x2f: {  	[tilespmem:v2+s7+$0x0] =	vst.idx.add.f32.msk $0xffff, v1  }
0x30: {  	v2 =	vld [tilespmem:s12+$0x70];
	_ =	sdelay $0x2  }
0x31: {  	p0 =	sne.s32 s11, $0x9C00  }
.Ltmp1:
0x32: {  	_ = 	snop;
	(pc) =	sbr.rel @p0 .LBB2_4-.Ltmp1, $2  }
0x33: {  	_ =	sdelay $0x2  }
0x34: {  	s11 =	sadd.s32 $0x200, s11;
	[tilespmem:v2+s7+$0x0] =	vst.idx.add.f32.msk $0xffff, v1  }
0x35: {  	s10 =	sadd.s32 $0x1, s10  }
0x36: {  	p0 =	sne.s32 s10, s5  }
.Ltmp2:
0x37: {  	_ = 	snop;
	(pc) =	sbr.rel @p0 .LBB2_1-.Ltmp2, $4  }
0x38: {  	[hbm4b:s4+s8] =	stream.strided.scatter [tilespmem:s7], [sflag:$0x1], $0x2800, s9, s8, $0x38;
	[tilespmem:$0x5000] =	vst v63  }
0x39: {  	_ =	swait.ge [sflag:s6], $0x2800  }
0x3a: {  	[sflag:s6] =	ssyncset.done $0x0  }
0x3b: {  	[sflag:s6] =	ssyncadd.s32 $0xFFFFD800  }
0x3c: {  	_ =	sfence.sel $0x180000  }
0x3d: {  	[bflag:$0x0] =	sbarrier.arrive $0xFFFF  }
0x3e: {  	p0 =	sne.s32 s0, $0x0;
	_ =	strace $0x90000047  }
0x3f: {  	s0 =	sadd.s32 @!p0 $0x100000, s1;
	[bflag:$0x2] =	sbarrier.arrive $0xFFFF  }
0x40: {  	[sflag:s0] =	ssyncadd.tile.s32 @!p0 $0x1;
	_ =	shalt  }
.Lfunc_end2:
_tile_overlayer_lowered:
.L_overlay_start_2:
0x41: {  	(tag) =	ssettag $0x2  }
0x42: {  	s0 =	rddreg [dreg:$0x0];
	s2 =	stileid.u32  }
0x43: {  	s1 =	rddreg [dreg:$0x1];
	p0 =	sne.s32 s2, $0x0  }
0x44: {  	s3 =	rddreg [dreg:$0x2];
	[bflag:$0x3] =	sbarrier.arrive $0xFFFF;
	s2 =	simm.s32 @!p0 $0x1C01  }
0x45: {  	[timem:s3], [sflag:s2] =	dma.local @!p0 [hbm:s0], s1  }
0x46: {  	s0 =	simm.s32 @!p0 $0x1  }
0x47: {  	_ =	swait.ge @!p0 [sflag:s0], s1  }
0x48: {  	s1 =	ssub.s32 @!p0 $0x0, s1;
	[sflag:s0] =	ssyncset.done @!p0 $0x0  }
0x49: {  	[sflag:s0] =	ssyncadd.s32 @!p0 s1  }
0x4a: {  	[bflag:$0x3] =	sbarrier.arrive $0xFFFF  }
0x4b: {  	_ =	shalt  }

// kernel: kernel.9.cloned.1.call-start
scs
__scs_entry_jumppad:
0x0: {  	(pc) =	sbr.rel $0x88, $3  }
0x1: {  	(tag) =	ssettag $0x0;
	lr =	simm.s32 $0x1  }
0x2: {  	[smem:$0x3F9D] =	sst lr;
	_ =	strace $0xD0000000  }
0x3: {  	_ = 	snop  }
0x4: {  	_ = 	snop  }
0x5: {  	_ = 	snop  }
0x6: {  	_ = 	snop  }
0x7: {  	_ = 	snop  }
__scs_overlays_trampoline_lowered:
0x8: {  	[smem:$0x3FAC] =	sst s0  }
0x9: {  	[smem:$0x3FAD] =	sst s1  }
0xa: {  	[smem:$0x3FAE] =	sst s2  }
0xb: {  	[smem:$0x3FAF] =	sst s3  }
0xc: {  	[smem:$0x3FB0] =	sst s4  }
0xd: {  	[smem:$0x3FB1] =	sst s5  }
0xe: {  	[smem:$0x3FB2] =	sst s6  }
0xf: {  	[smem:$0x3FB3] =	sst s7  }
0x10: {  	[smem:$0x3FB4] =	sst s8  }
0x11: {  	[smem:$0x3FB5] =	sst s9;
	s0 =	simm.s32 @!p0 $0x0  }
0x12: {  	s1 =	sld [smem:$0x3F9B];
	s0 =	simm.s32 @p0 $0x1  }
0x13: {  	[smem:$0x3FB6] =	sst s0;
	s0 =	simm.s32 @!p1 $0x0  }
0x14: {  	s2 =	sld [smem:$0x3F9A];
	s0 =	simm.s32 @p1 $0x1  }
0x15: {  	[smem:$0x3FB7] =	sst s0;
	s0 =	simm.s32 @!p2 $0x0  }
0x16: {  	s3 =	sld [smem:$0x3FDB];
	s0 =	simm.s32 @p2 $0x1  }
0x17: {  	s4 =	simm.s32 $0x1BF5;
	[smem:$0x3FB9] =	sst s0  }
0x18: {  	s0 =	sld [smem:$0x3F9C];
	_ =	swait.ge [sflag:s4], $0x0  }
0x19: {  	s7 =	sld [smem:$0x3F9D]  }
0x1a: {  	s8 =	sadd.s32 $0xFFFFE003, lr  }
0x1b: {  	s9 =	sadd.s32 $0xFFFFFEF7, lr;
	s5 =	simm.s32 $0xFFFFFFFF;
	p2 =	slt.u32 s8, $0xFFFFF086  }
0x1c: {  	p1 =	slt.u32 s9, $0xF7A;
	s5 =	simm.s32 @!p2 $0x0  }
0x1d: {  	s5 =	simm.s32 @p1 $0x1;
	p0 =	seq.s32 s7, s2  }
0x1e: {  	s7 =	smul.u32 @!p0 $0xF7A, s2;
	p2 =	seq.s32 @!p0 s5, $0x0  }
0x1f: {  	s9 =	smul.u32 $0xF7A, s1;
	s8 =	simm.s32 @!p0 $0x1BF5;
	p2 =	por !p2, p0  }
0x20: {  	[sflag:s8] =	ssyncset.s32 @!p0 $0xFFFFF086;
	s6 =	sadd.s32 @!p0 s3, s7;
	s7 =	simm.s32 @!p0 $0x108  }
0x21: {  	s3 =	sadd.s32 s3, s9;
	s6 =	sadd.s32 @!p0 $0x88, s6;
	s7 =	simm.s32 @p2 $0x1082  }
0x22: {  	[simem:s7], [sflag:s8] =	dma.local @!p0 [hbm:s6], $0xF7A  }
0x23: {  	s9 =	sor.u32 $0xD0000000, s2;
	s6 =	simm.s32 $0x108;
	_ =	swait.ge @!p0 [sflag:s8], $0x0  }
0x24: {  	s3 =	sadd.s32 $0x88, s3;
	s6 =	simm.s32 @!p1 $0x1082;
	[sflag:s4] =	ssyncset.s32 $0xFFFFF086  }
0x25: {  	[simem:s6], [sflag:s4] =	dma.local [hbm:s3], $0xF7A  }
0x26: {  	[smem:$0x3F9D] =	sst s1;
	(tag) =	ssettag s2;
	_ =	strace s9  }
0x27: {  	s1 =	sld [smem:$0x3FAD]  }
0x28: {  	s2 =	sld [smem:$0x3FAE]  }
0x29: {  	s4 =	sld [smem:$0x3FB0]  }
0x2a: {  	p0 =	seq.s32 s5, $0x0;
	s5 =	sld [smem:$0x3FB1]  }
0x2b: {  	s6 =	sld [smem:$0x3FB2]  }
0x2c: {  	s7 =	sld [smem:$0x3FB3]  }
0x2d: {  	s3 =	simm.s32 $0x108;
	s8 =	sld [smem:$0x3FB4]  }
0x2e: {  	s3 =	simm.s32 @!p0 $0x1082;
	s9 =	sld [smem:$0x3FB5]  }
0x2f: {  	lr =	sadd.s32 s0, s3;
	s0 =	sld [smem:$0x3FAC]  }
0x30: {  	s3 =	sld [smem:$0x3FAF]  }
0x31: {  	[smem:$0x3FB8] =	sst s10  }
0x32: {  	s10 =	sld [smem:$0x3FB6];
	_ =	sdelay $0x3  }
0x33: {  	p0 =	seq.s32 s10, $0x1;
	s10 =	sld [smem:$0x3FB8];
	_ =	sdelay $0x3  }
0x34: {  	[smem:$0x3FB8] =	sst s10  }
0x35: {  	s10 =	sld [smem:$0x3FB7];
	_ =	sdelay $0x3  }
0x36: {  	p1 =	seq.s32 s10, $0x1;
	s10 =	sld [smem:$0x3FB8];
	_ =	sdelay $0x3  }
0x37: {  	[smem:$0x3FB8] =	sst s10  }
0x38: {  	s10 =	sld [smem:$0x3FB9]  }
0x39: {  	_ = 	snop;
	(pc) =	sbr.ind lr, $3  }
0x3a: {  	_ = 	snop  }
0x3b: {  	_ = 	snop  }
0x3c: {  	p2 =	seq.s32 s10, $0x1;
	s10 =	sld [smem:$0x3FB8]  }
0x3d: {  	_ =	shalt  }
0x3e: {  	_ =	shalt  }
0x3f: {  	_ =	shalt  }
0x40: {  	_ =	shalt  }
0x41: {  	_ =	shalt  }
0x42: {  	_ =	shalt  }
0x43: {  	_ =	shalt  }
0x44: {  	_ =	shalt  }
0x45: {  	_ =	shalt  }
0x46: {  	_ =	shalt  }
0x47: {  	_ =	shalt  }
0x48: {  	_ =	shalt  }
0x49: {  	_ =	shalt  }
0x4a: {  	_ =	shalt  }
0x4b: {  	_ =	shalt  }
0x4c: {  	_ =	shalt  }
0x4d: {  	_ =	shalt  }
0x4e: {  	_ =	shalt  }
0x4f: {  	_ =	shalt  }
0x50: {  	_ =	shalt  }
0x51: {  	_ =	shalt  }
0x52: {  	_ =	shalt  }
0x53: {  	_ =	shalt  }
0x54: {  	_ =	shalt  }
0x55: {  	_ =	shalt  }
0x56: {  	_ =	shalt  }
0x57: {  	_ =	shalt  }
0x58: {  	_ =	shalt  }
0x59: {  	_ =	shalt  }
0x5a: {  	_ =	shalt  }
0x5b: {  	_ =	shalt  }
0x5c: {  	_ =	shalt  }
0x5d: {  	_ =	shalt  }
0x5e: {  	_ =	shalt  }
0x5f: {  	_ =	shalt  }
0x60: {  	_ =	shalt  }
0x61: {  	_ =	shalt  }
0x62: {  	_ =	shalt  }
0x63: {  	_ =	shalt  }
0x64: {  	_ =	shalt  }
0x65: {  	_ =	shalt  }
0x66: {  	_ =	shalt  }
0x67: {  	_ =	shalt  }
0x68: {  	_ =	shalt  }
0x69: {  	_ =	shalt  }
0x6a: {  	_ =	shalt  }
0x6b: {  	_ =	shalt  }
0x6c: {  	_ =	shalt  }
0x6d: {  	_ =	shalt  }
0x6e: {  	_ =	shalt  }
0x6f: {  	_ =	shalt  }
0x70: {  	_ =	shalt  }
0x71: {  	_ =	shalt  }
0x72: {  	_ =	shalt  }
0x73: {  	_ =	shalt  }
0x74: {  	_ =	shalt  }
0x75: {  	_ =	shalt  }
0x76: {  	_ =	shalt  }
0x77: {  	_ =	shalt  }
0x78: {  	_ =	shalt  }
0x79: {  	_ =	shalt  }
0x7a: {  	_ =	shalt  }
0x7b: {  	_ =	shalt  }
0x7c: {  	_ =	shalt  }
0x7d: {  	_ =	shalt  }
0x7e: {  	_ =	shalt  }
0x7f: {  	_ =	shalt  }
0x80: {  	_ =	shalt  }
0x81: {  	_ =	shalt  }
0x82: {  	_ =	shalt  }
0x83: {  	_ =	shalt  }
0x84: {  	_ =	shalt  }
0x85: {  	_ =	shalt  }
0x86: {  	_ =	shalt  }
0x87: {  	_ =	shalt  }
.Lfunc_end0:
.L_simem_size_0:
called_computation.1_lowered:
.L_overlay_start_0:
0x88: {  	s2 =	sld [smem:$0x3FD9]  }
0x89: {  	s3 =	sld [smem:$0x3FFE];
	_ =	sdelay $0x1  }
0x8a: {  	s1 =	srdreg.scid  }
0x8b: {  	s0 =	sand.u32 $0x1, s1  }
0x8c: {  	s17 =	sshll.u32 s0, $0xA;
	s2 =	sadd.s32 s3, s2  }
0x8d: {  	s2 =	sadd.s32 s2, s17  }
0x8e: {  	[smem:$0x3FC4] =	sst s2  }
0x8f: {  	_ = 	snop  }
0x90: {  	s2 =	sld [smem:$0x3FD0];
	(tm) =	ssettm $0x1  }
0x91: {  	s18 =	sld [smem:$0x3FFB];
	_ =	sdelay $0x3  }
0x92: {  	_ =	strace s18  }
0x93: {  	s3 =	sld [smem:$0x3FFC];
	_ =	sdelay $0x3  }
0x94: {  	_ =	strace s3  }
0x95: {  	s3 =	sld [smem:$0x3FFD];
	_ =	sdelay $0x3  }
0x96: {  	_ =	strace s3  }
0x97: {  	_ =	strace $0x8FFFFFFF  }
0x98: {  	s19 =	sld [smem:$0x3FDB];
	_ =	sdelay $0x1  }
0x99: {  	s4 =	simm.s32 $_scs_section_size  }
0x9a: {  	s5 =	simm.s32 $_size__tile_overlayer_lowered;
	s6 =	simm.s32 $_tile_overlayer_lowered  }
0x9b: {  	s22 =	simm.s32 $0x1BFF;
	s21 =	sshll.u32 s6, $0x1;
	s3 =	sadd.s32 s4, s19  }
0x9c: {  	s7 =	simm.s32 $0x0;
	s20 =	sshll.u32 s5, $0x1;
	s5 =	sadd.s32 s21, s3  }
0x9d: {  	[timem:s7], [sflag:s22] =	dma.local [hbm:s5], s20  }
0x9e: {  	_ =	swait.ge [sflag:s22], s20  }
0x9f: {  	s4 =	ssub.s32 $0x0, s20;
	[sflag:s22] =	ssyncset.done $0x0  }
0xa0: {  	[sflag:s22] =	ssyncadd.s32 s4;
	_ =	sdelay $0x1  }
0xa1: {  	s23 =	simm.s32 $0x1B8B  }
0xa2: {  	_ =	swait.ge [sflag:s23], $0x1  }
0xa3: {  	[sflag:s23] =	ssyncset.done $0x0  }
0xa4: {  	s25 =	simm.s32 $0x1B8E;
	s24 =	sld [smem:$0x3FFE];
	[sflag:s23] =	ssyncadd.s32 $0xFFFFFFFF  }
0xa5: {  	s26 =	simm.s32 $execute0_lowered;
	[smem:$0x3FD2] =	sst s25  }
0xa6: {  	s5 =	sshll.u32 s26, $0x1;
	_ =	strace $0x80000049;
	[dreg:$0x1] =	wrdreg $0xFFFFFFFF  }
0xa7: {  	s28 =	simm.s32 $_size_execute0_lowered;
	s3 =	sadd.s32 s3, s5;
	[dreg:$0x0] =	wrdreg $0x0  }
0xa8: {  	s5 =	sshll.u32 s28, $0x1;
	[dreg:$0x2] =	wrdreg s3  }
0xa9: {  	[dreg:$0x3] =	wrdreg s5  }
0xaa: {  	[dreg:$0x4] =	wrdreg $0xC0  }
0xab: {  	_ =	task [dreg:s7], $0x5FFFF  }
0xac: {  	[dreg:$0x1] =	wrdreg $0xFFFFFFFF  }
0xad: {  	[dreg:$0x0] =	wrdreg $0x60  }
0xae: {  	[dreg:$0x2] =	wrdreg s24  }
0xaf: {  	[dreg:$0x3] =	wrdreg s2  }
0xb0: {  	[dreg:$0x4] =	wrdreg $0x90000  }
0xb1: {  	[dreg:$0x5] =	wrdreg $0x9  }
0xb2: {  	_ =	task.clear_ibuf [dreg:s7], $0x6FFFF;
	_ =	strace $0x90000049  }
0xb3: {  	s29 =	simm.s32 $0x9;
	_ =	strace $0x8000004B  }
0xb4: {  	_ =	swait.ge [sflag:s29], $0x1  }
0xb5: {  	[sflag:s29] =	ssyncadd.s32 $0xFFFFFFFF  }
0xb6: {  	_ =	strace $0x9000004B  }
0xb7: {  	_ =	sfence  }
0xb8: {  	s30 =	sld [smem:$0x0];
	_ =	sdelay $0x2  }
0xb9: {  	s31 =	sshll.u32 s1, $0xD;
	s1 =	sshrl.u32 s1, $0x2  }
0xba: {  	s3 =	sand.u32 $0x4000, s31;
	s1 =	sadd.s32 s1, s30  }
0xbb: {  	s0 =	sor.u32 s3, s0;
	s1 =	sshll.u32 s1, $0x11  }
0xbc: {  	s0 =	sor.u32 s1, s0  }
0xbd: {  	s0 =	sadd.s32 $0x8F2B, s0  }
0xbe: {  	[sflag:s0] =	ssyncadd.remote.s32 $0x1  }
0xbf: {  	_ =	sfence.sel $0xFFFF  }
0xc0: {  	[dreg:$0x0] =	wrdreg $0xFFFFFFFF;
	(pc) =	sbr.abs _section_cstart, $3  }
0xc1: {  	[dreg:$0x1] =	wrdreg $0xFFFFFFFF  }
0xc2: {  	_ =	task.clear_ibuf [dreg:s7], $0x2FFFF;
	_ =	strace $0x9FFFFFFF  }
0xc3: {  	(tm) =	ssettm $0x7FFFFFFF  }
tec
execute0_lowered:
.L_overlay_start_1:
0x0: {  	(tag) =	ssettag $0x1  }
0x1: {  	s5 =	rddreg [dreg:$0x0]  }
0x2: {  	s0 =	srdreg.scid;
	s7 =	rddreg [dreg:$0x1]  }
0x3: {  	s2 =	rddreg [dreg:$0x2];
	s3 =	simm.s32 $0x0;
	s15 =	simm.s32 $0x2800  }
0x4: {  	s16 =	simm.s32 $0x5000;
	s6 =	sand.u32 $0x1, s0;
	s0 =	stileid.u32  }
0x5: {  	s17 =	simm.s32 $0x80;
	s18 =	simm.s32 $0x1;
	s9 =	smul.u32 $0x2800, s0  }
0x6: {  	s21 =	simm.s32 $0x0;
	[smem:$0x7FF] =	sst s3;
	s10 =	smul.u32 $0x28000, s6  }
0x7: {  	s1 =	sshll.u32 s6, $0x4;
	s6 =	ssub.s32 $0x2, s6;
	s11 =	smul.u32 $0x50000, s0  }
0x8: {  	s19 =	sshll.u32 s0, $0x6;
	s4 =	sor.u32 s0, s1;
	s1 =	rddreg [dreg:$0x3]  }
0x9: {  	_ =	strace $0x8000004A;
	s30 =	sshrl.u32 s6, $0x1;
	s19 =	sor.u32 $0x1C02, s19  }
0xa: {  	s8 =	smul.u32 $0x500, s4;
	s4 =	sadd.s32 $0x15400, s5;
	s9 =	sadd.s32 s9, s10  }
0xb: {  	s14 =	ssub.s32 s6, s30;
	s31 =	sshrl.u32 s11, $0x2;
	s13 =	sadd.s32 s9, s5  }
0xc: {  	s12 =	sadd.s32 s8, s5;
	s6 =	sadd.s32 s7, s8;
	s7 =	sadd.s32 s31, s2  }
0xd: {  	s5 =	sadd.s32 $0xB400, s12;
	s8 =	sadd.s32 $0x4000, s7;
	s9 =	sadd.s32 $0x8000, s7  }
0xe: {  	s10 =	sadd.s32 $0xC000, s7;
	s11 =	sadd.s32 $0x10000, s7;
	s12 =	sadd.s32 $0x3D400, s13  }
0xf: {  	v0 =	vimm.f32 $0.0e+00;
	s13 =	smax.u32 s14, $0x1;
	s14 =	simm.s32 $0x2;
	s20 =	sshrl.u32 s7, $0x3  }
.LBB2_1:
0x10: {  	[tilespmem:s3], [sflag:$0x2] =	stream.linear.gather [hbm4b:s5+s3], $0x2780, $0x38;
	[tilespmem:$0x1D000] =	vst v63  }
0x11: {  	_ =	swait.ge [sflag:s14], $0x2780  }
0x12: {  	[sflag:s14] =	ssyncset.done $0x0  }
0x13: {  	[sflag:s14] =	ssyncadd.s32 $0xFFFFD880  }
0x14: {  	[tilespmem:s15], [sflag:$0x2] =	stream.linear.gather [hbm4b:s6+s3], $0x2780, $0x38;
	[tilespmem:$0x1D000] =	vst v63  }
0x15: {  	_ =	swait.ge [sflag:s14], $0x2780  }
0x16: {  	[sflag:s14] =	ssyncset.done $0x0  }
0x17: {  	s22 =	simm.s32 $0x5100;
	[sflag:s14] =	ssyncadd.s32 $0xFFFFD880  }
0x18: {  	[tilespmem:s22+$0xFFFFFF00] =	vst v0  }
0x19: {  	[tilespmem:s22+$0xF0] =	vst v0  }
0x1a: {  	[tilespmem:s22+$0xE0] =	vst v0  }
0x1b: {  	[tilespmem:s22+$0xD0] =	vst v0  }
0x1c: {  	[tilespmem:s22+$0xC0] =	vst v0  }
0x1d: {  	[tilespmem:s22+$0xB0] =	vst v0  }
0x1e: {  	[tilespmem:s22+$0xA0] =	vst v0  }
0x1f: {  	[tilespmem:s22+$0x90] =	vst v0  }
0x20: {  	[tilespmem:s22+$0x80] =	vst v0  }
0x21: {  	[tilespmem:s22+$0x70] =	vst v0  }
0x22: {  	[tilespmem:s22+$0x60] =	vst v0  }
0x23: {  	[tilespmem:s22+$0x50] =	vst v0  }
0x24: {  	[tilespmem:s22+$0x40] =	vst v0  }
0x25: {  	[tilespmem:s22+$0x30] =	vst v0  }
0x26: {  	[tilespmem:s22+$0x20] =	vst v0  }
0x27: {  	[tilespmem:s22+$0x10] =	vst v0  }
0x28: {  	[tilespmem:s22+$0x0] =	vst v0  }
0x29: {  	[tilespmem:s22+$0xFFFFFFF0] =	vst v0  }
0x2a: {  	[tilespmem:s22+$0xFFFFFFE0] =	vst v0  }
0x2b: {  	[tilespmem:s22+$0xFFFFFFD0] =	vst v0  }
0x2c: {  	[tilespmem:s22+$0xFFFFFFC0] =	vst v0  }
0x2d: {  	[tilespmem:s22+$0xFFFFFFB0] =	vst v0  }
0x2e: {  	[tilespmem:s22+$0xFFFFFFA0] =	vst v0  }
0x2f: {  	[tilespmem:s22+$0xFFFFFF90] =	vst v0  }
0x30: {  	[tilespmem:s22+$0xFFFFFF80] =	vst v0  }
0x31: {  	[tilespmem:s22+$0xFFFFFF70] =	vst v0  }
0x32: {  	[tilespmem:s22+$0xFFFFFF60] =	vst v0  }
0x33: {  	[tilespmem:s22+$0xFFFFFF50] =	vst v0  }
0x34: {  	[tilespmem:s22+$0xFFFFFF40] =	vst v0  }
0x35: {  	[tilespmem:s22+$0xFFFFFF30] =	vst v0  }
0x36: {  	s23 =	simm.s32 $0x0;
	[tilespmem:s22+$0xFFFFFF20] =	vst v0  }
.LBB2_2:
0x37: {  	s23 =	sadd.s32 $0x4, s23;
	[tilespmem:s22+$0xFFFFFF10] =	vst v0;
	s22 =	sadd.s32 $0x200, s22  }
0x38: {  	[tilespmem:s22+$0xFFFFFF00] =	vst v0;
	p0 =	slt.u32 s23, $0x7C  }
0x39: {  	[tilespmem:s22+$0xF0] =	vst v0  }
0x3a: {  	[tilespmem:s22+$0xE0] =	vst v0  }
0x3b: {  	[tilespmem:s22+$0xD0] =	vst v0  }
0x3c: {  	[tilespmem:s22+$0xC0] =	vst v0  }
0x3d: {  	[tilespmem:s22+$0xB0] =	vst v0  }
0x3e: {  	[tilespmem:s22+$0xA0] =	vst v0  }
0x3f: {  	[tilespmem:s22+$0x90] =	vst v0  }
0x40: {  	[tilespmem:s22+$0x80] =	vst v0  }
0x41: {  	[tilespmem:s22+$0x70] =	vst v0  }
0x42: {  	[tilespmem:s22+$0x60] =	vst v0  }
0x43: {  	[tilespmem:s22+$0x50] =	vst v0  }
0x44: {  	[tilespmem:s22+$0x40] =	vst v0  }
0x45: {  	[tilespmem:s22+$0x30] =	vst v0  }
0x46: {  	[tilespmem:s22+$0x20] =	vst v0  }
0x47: {  	[tilespmem:s22+$0x10] =	vst v0  }
0x48: {  	[tilespmem:s22+$0x0] =	vst v0  }
0x49: {  	[tilespmem:s22+$0xFFFFFFF0] =	vst v0  }
0x4a: {  	[tilespmem:s22+$0xFFFFFFE0] =	vst v0  }
0x4b: {  	[tilespmem:s22+$0xFFFFFFD0] =	vst v0  }
0x4c: {  	[tilespmem:s22+$0xFFFFFFC0] =	vst v0  }
0x4d: {  	[tilespmem:s22+$0xFFFFFFB0] =	vst v0  }
0x4e: {  	[tilespmem:s22+$0xFFFFFFA0] =	vst v0  }
0x4f: {  	[tilespmem:s22+$0xFFFFFF90] =	vst v0  }
0x50: {  	[tilespmem:s22+$0xFFFFFF80] =	vst v0  }
0x51: {  	[tilespmem:s22+$0xFFFFFF70] =	vst v0  }
.Ltmp0:
0x52: {  	[tilespmem:s22+$0xFFFFFF60] =	vst v0;
	(pc) =	sbr.rel @p0 .LBB2_2-.Ltmp0, $4  }
0x53: {  	[tilespmem:s22+$0xFFFFFF50] =	vst v0  }
0x54: {  	[tilespmem:s22+$0xFFFFFF40] =	vst v0  }
0x55: {  	[tilespmem:s22+$0xFFFFFF30] =	vst v0  }
0x56: {  	[tilespmem:s22+$0xFFFFFF20] =	vst v0  }
0x57: {  	[tilespmem:s22+$0xFFFFFF10] =	vst v0  }
0x58: {  	[spmem:s7] =	stream.linear.scatter [tilespmem:s16], [sflag:$0x2], $0x4000, $0x38;
	[tilespmem:$0x1D000] =	vst v63  }
0x59: {  	_ =	swait.ge [sflag:s14], $0x4000  }
0x5a: {  	[sflag:s14] =	ssyncset.done $0x0  }
0x5b: {  	[sflag:s14] =	ssyncadd.s32 $0xFFFFC000  }
0x5c: {  	[spmem:s8] =	stream.linear.scatter [tilespmem:s16], [sflag:$0x2], $0x4000, $0x38;
	[tilespmem:$0x1D000] =	vst v63  }
0x5d: {  	_ =	swait.ge [sflag:s14], $0x4000  }
0x5e: {  	[sflag:s14] =	ssyncset.done $0x0  }
0x5f: {  	[sflag:s14] =	ssyncadd.s32 $0xFFFFC000  }
0x60: {  	[spmem:s9] =	stream.linear.scatter [tilespmem:s16], [sflag:$0x2], $0x4000, $0x38;
	[tilespmem:$0x1D000] =	vst v63  }
0x61: {  	_ =	swait.ge [sflag:s14], $0x4000  }
0x62: {  	[sflag:s14] =	ssyncset.done $0x0  }
0x63: {  	[sflag:s14] =	ssyncadd.s32 $0xFFFFC000  }
0x64: {  	[spmem:s10] =	stream.linear.scatter [tilespmem:s16], [sflag:$0x2], $0x4000, $0x38;
	[tilespmem:$0x1D000] =	vst v63  }
0x65: {  	_ =	swait.ge [sflag:s14], $0x4000  }
0x66: {  	[sflag:s14] =	ssyncset.done $0x0  }
0x67: {  	[sflag:s14] =	ssyncadd.s32 $0xFFFFC000  }
0x68: {  	[spmem:s11] =	stream.linear.scatter [tilespmem:s16], [sflag:$0x2], $0x4000, $0x38;
	[tilespmem:$0x1D000] =	vst v63  }
0x69: {  	_ =	swait.ge [sflag:s14], $0x4000  }
0x6a: {  	[sflag:s14] =	ssyncset.done $0x0  }
0x6b: {  	[sflag:s14] =	ssyncadd.s32 $0xFFFFC000  }
0x6c: {  	s30 =	simm.s32 $0x0;
	[bflag:$0x0] =	sbarrier.arrive $0xFFFF  }
0x6d: {  	[tilespmem:s16], [sflag:$0x1] =	stream.indirect.gather [hbm4b:s4+s17], $0x80, s30, s17, $0xb8;
	[tilespmem:$0x1D000] =	vst v63  }
0x6e: {  	_ =	swait.ge [sflag:s18], $0x4000  }
0x6f: {  	[sflag:s18] =	ssyncset.done $0x0  }
0x70: {  	s31 =	simm.s32 $0x2800;
	[sflag:s18] =	ssyncadd.s32 $0xFFFFC000  }
0x71: {  	[spmem:s2] =	stream.indirect.scatter.add.f32 [tilespmem:s16], [sflag:$0x2], $0x80, s31, s17, $0xb8;
	[tilespmem:$0x1D000] =	vst v63  }
0x72: {  	_ =	swait.ge [sflag:s14], $0x4000  }
0x73: {  	s22 =	simm.s32 $0x200;
	s23 =	simm.s32 $0x400;
	[sflag:s14] =	ssyncset.done $0x0  }
.LBB2_4:
0x74: {  	s24 =	sshra.s32 s22, $0x2  }
0x75: {  	[sflag:s14] =	ssyncadd.s32 $0xFFFFC000;
	s22 =	smov.u32 s23;
	s25 =	sadd.s32 $0x200, s23  }
0x76: {  	[tilespmem:s16], [sflag:$0x1] =	stream.indirect.gather [hbm4b:s4+s17], $0x80, s24, s17, $0xb8;
	[tilespmem:$0x1D000] =	vst v63  }
0x77: {  	p0 =	sne.s32 s23, $0x9C00;
	_ =	swait.ge [sflag:s18], $0x4000  }
.Ltmp1:
0x78: {  	[sflag:s18] =	ssyncset.done $0x0;
	(pc) =	sbr.rel @p0 .LBB2_4-.Ltmp1, $4  }
0x79: {  	s23 =	sadd.s32 $0x2800, s24;
	[sflag:s18] =	ssyncadd.s32 $0xFFFFC000  }
0x7a: {  	[spmem:s2] =	stream.indirect.scatter.add.f32 [tilespmem:s16], [sflag:$0x2], $0x80, s23, s17, $0xb8;
	[tilespmem:$0x1D000] =	vst v63  }
0x7b: {  	_ =	swait.ge [sflag:s14], $0x4000  }
0x7c: {  	s23 =	smov.u32 s25;
	[sflag:s14] =	ssyncset.done $0x0  }
0x7d: {  	s22 =	sshra.s32 s22, $0x2;
	[sflag:s14] =	ssyncadd.s32 $0xFFFFC000  }
0x7e: {  	[tilespmem:s16], [sflag:$0x1] =	stream.indirect.gather [hbm4b:s4+s17], $0x80, s22, s17, $0xb8;
	[tilespmem:$0x1D000] =	vst v63  }
0x7f: {  	_ =	swait.ge [sflag:s18], $0x4000  }
0x80: {  	[sflag:s18] =	ssyncset.done $0x0  }
0x81: {  	s22 =	sadd.s32 $0x2800, s22;
	[sflag:s18] =	ssyncadd.s32 $0xFFFFC000  }
0x82: {  	[spmem:s2] =	stream.indirect.scatter.add.f32 [tilespmem:s16], [sflag:$0x2], $0x80, s22, s17, $0xb8;
	[tilespmem:$0x1D000] =	vst v63  }
0x83: {  	_ =	swait.ge [sflag:s14], $0x4000  }
0x84: {  	s21 =	sadd.s32 $0x1, s21;
	[sflag:s14] =	ssyncset.done $0x0  }
0x85: {  	p0 =	sne.s32 s21, s13;
	[sflag:s14] =	ssyncadd.s32 $0xFFFFC000  }
.Ltmp2:
0x86: {  	[bflag:$0x0] =	sbarrier.arrive $0xFFFF;
	(pc) =	sbr.rel @p0 .LBB2_1-.Ltmp2, $4  }
0x87: {  	[hbm:s12], [sflag:s19] =	dma.local [spmem:s20], $0x2800  }
0x88: {  	_ =	swait.ge [sflag:s14], $0x2800  }
0x89: {  	[sflag:s14] =	ssyncset.done $0x0  }
0x8a: {  	[sflag:s14] =	ssyncadd.s32 $0xFFFFD800  }
0x8b: {  	_ =	sfence.sel $0x180000  }
0x8c: {  	[bflag:$0x0] =	sbarrier.arrive $0xFFFF  }
0x8d: {  	p0 =	sne.s32 s0, $0x0;
	_ =	strace $0x9000004A  }
0x8e: {  	s0 =	sadd.s32 @!p0 $0x100000, s1;
	[bflag:$0x2] =	sbarrier.arrive $0xFFFF  }
0x8f: {  	[sflag:s0] =	ssyncadd.tile.s32 @!p0 $0x1;
	_ =	shalt  }
.Lfunc_end2:
_tile_overlayer_lowered:
.L_overlay_start_2:
0x90: {  	(tag) =	ssettag $0x2  }
0x91: {  	s0 =	rddreg [dreg:$0x0];
	s2 =	stileid.u32  }
0x92: {  	s1 =	rddreg [dreg:$0x1];
	p0 =	sne.s32 s2, $0x0  }
0x93: {  	s3 =	rddreg [dreg:$0x2];
	[bflag:$0x3] =	sbarrier.arrive $0xFFFF;
	s2 =	simm.s32 @!p0 $0x1C02  }
0x94: {  	[timem:s3], [sflag:s2] =	dma.local @!p0 [hbm:s0], s1  }
0x95: {  	s0 =	simm.s32 @!p0 $0x2  }
0x96: {  	_ =	swait.ge @!p0 [sflag:s0], s1  }
0x97: {  	s1 =	ssub.s32 @!p0 $0x0, s1;
	[sflag:s0] =	ssyncset.done @!p0 $0x0  }
0x98: {  	[sflag:s0] =	ssyncadd.s32 @!p0 s1  }
0x99: {  	[bflag:$0x3] =	sbarrier.arrive $0xFFFF  }
0x9a: {  	_ =	shalt  }

</sc_bundles>
